<compile_context>
chip_gen: v7x
topology: tpu7x:2x2x1
jax: 0.10.2.dev20260603
libtpu: 0.0.44.dev20260713+nightly
codegen_flags: <defaults>
</compile_context>

<pallas_src>
import jax
import jax.numpy as jnp
from jax import lax
from jax.experimental import pallas as pl
from jax.experimental.pallas import tpu as pltpu
from jax.experimental.pallas import tpu_sc as plsc

NC = 2
NS = 16
NW = NC * NS
CHUNK = 160
NCH = 64
EPW = CHUNK * NCH
NPAD = 10240
D = 128
BLK = 1280
RPT = NPAD // NS

_MESH = plsc.VectorSubcoreMesh(
    core_axis_name="c", subcore_axis_name="s", num_cores=NC, num_subcores=NS
)


def _deg_body(srcf, ones_hbm, zeros_hbm, deg_out, idxv, ones_v, acc):
    c = lax.axis_index("c")
    s = lax.axis_index("s")
    wid = c * NS + s
    pltpu.sync_copy(zeros_hbm.at[pl.ds(s * RPT, RPT)], acc.at[pl.ds(s * RPT, RPT)])
    pltpu.sync_copy(srcf.at[wid], idxv)
    pltpu.sync_copy(ones_hbm, ones_v)
    plsc.subcore_barrier()
    pltpu.sync_copy(ones_v, acc.at[idxv], add=True)
    plsc.subcore_barrier()
    pltpu.sync_copy(acc.at[pl.ds(s * RPT, RPT)], deg_out.at[c, pl.ds(s * RPT, RPT)])


def _agg_body(srcr, dstr, h_hbm, zeros_hbm, agg_out,
              src0, dst0, src1, dst1, rows0, rows1, acc, gs0, gs1):
    c = lax.axis_index("c")
    s = lax.axis_index("s")
    wid = c * NS + s
    pltpu.sync_copy(zeros_hbm.at[pl.ds(s * RPT, RPT)], acc.at[pl.ds(s * RPT, RPT)])
    plsc.subcore_barrier()

    def step(i, carry):
        g0 = 2 * i
        g1 = 2 * i + 1
        pltpu.sync_copy(srcr.at[wid, g0], src0)
        pltpu.sync_copy(dstr.at[wid, g0], dst0)
        a0 = pltpu.async_copy(h_hbm.at[src0], rows0, gs0)
        pltpu.sync_copy(srcr.at[wid, g1], src1)
        pltpu.sync_copy(dstr.at[wid, g1], dst1)
        a1 = pltpu.async_copy(h_hbm.at[src1], rows1, gs1)
        a0.wait()
        pltpu.sync_copy(rows0, acc.at[dst0], add=True)
        a1.wait()
        pltpu.sync_copy(rows1, acc.at[dst1], add=True)
        return carry

    lax.fori_loop(0, NCH // 2, step, 0)
    plsc.subcore_barrier()
    pltpu.sync_copy(acc.at[pl.ds(s * RPT, RPT)], agg_out.at[c, pl.ds(s * RPT, RPT)])


def _scale_body(deg_ref, emb_ref, h_ref):
    deg = deg_ref[0] + deg_ref[1]
    normed = lax.rsqrt(jnp.maximum(deg, 1.0))
    h_ref[...] = emb_ref[...] * normed[:, None]


def _final_body(deg_ref, agg_ref, out_ref):
    deg = deg_ref[0] + deg_ref[1]
    normed = lax.rsqrt(jnp.maximum(deg, 1.0))
    out_ref[...] = (agg_ref[0] + agg_ref[1]) * normed[:, None]


def kernel(users_emb, items_emb, edge_index):
    n_users, d = users_emb.shape
    n_items = items_emb.shape[0]
    n = n_users + n_items
    e = edge_index.shape[1]
    e_pad = NW * EPW
    assert d == D and n <= NPAD and e <= e_pad

    ei = edge_index.astype(jnp.int32)
    pad_idx = n + jnp.arange(e_pad - e, dtype=jnp.int32) % (NPAD - n)
    src = jnp.concatenate([ei[0], pad_idx])
    dst = jnp.concatenate([ei[1], pad_idx])
    srcf = src.reshape(NW, EPW)
    srcr = src.reshape(NW, NCH, CHUNK)
    dstr = dst.reshape(NW, NCH, CHUNK)
    all_emb = jnp.concatenate(
        [users_emb, items_emb, jnp.zeros((NPAD - n, D), jnp.float32)], axis=0
    )
    ones = jnp.ones((EPW,), jnp.float32)
    zeros1 = jnp.zeros((NPAD,), jnp.float32)
    zeros128 = jnp.zeros((NPAD, D), jnp.float32)

    deg_parts = pl.kernel(
        _deg_body,
        out_type=jax.ShapeDtypeStruct((NC, NPAD), jnp.float32),
        mesh=_MESH,
        scratch_types=[
            pltpu.VMEM((EPW,), jnp.int32),
            pltpu.VMEM((EPW,), jnp.float32),
            pltpu.VMEM_SHARED((NPAD,), jnp.float32),
        ],
    )(srcf, ones, zeros1)

    h = pl.pallas_call(
        _scale_body,
        grid=(NPAD // BLK,),
        in_specs=[
            pl.BlockSpec((2, BLK), lambda i: (0, i)),
            pl.BlockSpec((BLK, D), lambda i: (i, 0)),
        ],
        out_specs=pl.BlockSpec((BLK, D), lambda i: (i, 0)),
        out_shape=jax.ShapeDtypeStruct((NPAD, D), jnp.float32),
    )(deg_parts, all_emb)

    agg_parts = pl.kernel(
        _agg_body,
        out_type=jax.ShapeDtypeStruct((NC, NPAD, D), jnp.float32),
        mesh=_MESH,
        scratch_types=(
            [pltpu.VMEM((CHUNK,), jnp.int32)] * 4
            + [pltpu.VMEM((CHUNK, D), jnp.float32)] * 2
            + [pltpu.VMEM_SHARED((NPAD, D), jnp.float32)]
            + [pltpu.SemaphoreType.DMA] * 2
        ),
    )(srcr, dstr, h, zeros128)

    out = pl.pallas_call(
        _final_body,
        grid=(NPAD // BLK,),
        in_specs=[
            pl.BlockSpec((2, BLK), lambda i: (0, i)),
            pl.BlockSpec((2, BLK, D), lambda i: (0, i, 0)),
        ],
        out_specs=pl.BlockSpec((BLK, D), lambda i: (i, 0)),
        out_shape=jax.ShapeDtypeStruct((NPAD, D), jnp.float32),
    )(deg_parts, agg_parts)

    return out[:n]

# --- scband reference (transcript-rebuilt; emitter-appended) ---
"""Pipeline reference for scband-light-gcnconv-20925080666406 (READ-ONLY COPY).

The authoritative reference and input builder live on the scoring server;
editing this copy changes nothing except your own understanding.
"""

import jax, jax.numpy as jnp
import numpy as np

N_USERS = 5000
N_ITEMS = 5000
D = 128
E = 320000


def setup_inputs(seed: int = 0) -> dict:
    key = jax.random.key(seed)
    k1, k2, k3 = jax.random.split(key, 3)
    users_emb = jax.random.normal(k1, (N_USERS, D), dtype=jnp.float32)
    items_emb = jax.random.normal(k2, (N_ITEMS, D), dtype=jnp.float32)
    edge_index = jax.random.randint(k3, (2, E), 0, N_USERS + N_ITEMS, dtype=jnp.int64)
    return {"users_emb": users_emb, "items_emb": items_emb, "edge_index": edge_index}


def reference(users_emb, items_emb, edge_index):
    # LightGCNConv forward (DGL semantics):
    #   all_emb = cat([users_emb, items_emb])
    #   deg = g.out_degrees().clamp(min=1); normed = deg^{-0.5}
    #   h = all_emb * normed ; update_all(copy_u, sum) ; out = aggregated * normed
    all_emb = jnp.concatenate([users_emb, items_emb], axis=0)
    n_nodes = all_emb.shape[0]
    src = edge_index[0]
    dst = edge_index[1]
    deg = jnp.bincount(src, length=n_nodes).astype(jnp.float32)
    deg = jnp.clip(deg, 1.0)
    normed_deg = jnp.power(deg, -0.5).reshape(-1, 1)
    h = all_emb * normed_deg
    # message: copy_u -> gather src features; reduce: sum per dst node
    msg = jnp.take(h, src, axis=0)
    agg = jax.ops.segment_sum(msg, dst, num_segments=n_nodes)
    n_feat = agg * normed_deg
    return n_feat

if __name__ == "__main__":
    import jax
    _d = setup_inputs()
    print(jax.jit(kernel)(*tuple(_d.values())))

</pallas_src>

<mosaic_0001>
#map = affine_map<(d0, d1) -> (0, 0)>
#map1 = affine_map<(d0, d1) -> (0)>
module attributes {stable_mosaic.version = 14 : i64} {
  func.func @_deg_body(%arg0: i32, %arg1: i32, %arg2: memref<32x10240xi32, #tpu.memory_space<hbm>>, %arg3: memref<10240xf32, #tpu.memory_space<hbm>>, %arg4: memref<10240xf32, #tpu.memory_space<hbm>>, %arg5: memref<2x10240xf32, #tpu.memory_space<hbm>>, %arg6: memref<10240xi32, #tpu.memory_space<vmem>>, %arg7: memref<10240xf32, #tpu.memory_space<vmem>>, %arg8: memref<10240xf32, #tpu.memory_space<vmem_shared>>) attributes {dimension_semantics = [#tpu.dimension_semantics<core_parallel>, #tpu.dimension_semantics<subcore_parallel>], iteration_bounds = array<i64: 2, 16>, scalar_prefetch = 0 : i64, scratch_operands = 3 : i64, tpu.core_type = #tpu.core_type<sc_vector_subcore>, window_params = [{transform_indices = #map}, {transform_indices = #map1}, {transform_indices = #map1}, {transform_indices = #map}]} {
    %mul3A = arith.constant 16 : i32
    %mul3A_0 = arith.muli %arg0, %mul3A : i32
    %add3A = arith.addi %mul3A_0, %arg1 : i32
    %mul3A_1 = arith.constant 640 : i32
    %mul3A_2 = arith.muli %arg1, %mul3A_1 : i32
    %mul3A_3 = arith.constant 640 : i32
    %mul3A_4 = arith.muli %arg1, %mul3A_3 : i32
    "tpu.region"() ({
      %run_scoped3A = tpu.sem_alloc : memref<!tpu.dma_semaphore, #tpu.memory_space<semaphore_mem>>
      %dma_start3A = tpu.memref_slice %arg8[%mul3A_4] : memref<10240xf32, #tpu.memory_space<vmem_shared>> -> memref<640xf32, #tpu.memory_space<vmem_shared>>
      %dma_start3A_10 = tpu.memref_slice %arg4[%mul3A_2] : memref<10240xf32, #tpu.memory_space<hbm>> -> memref<640xf32, #tpu.memory_space<hbm>>
      tpu.enqueue_dma source(%dma_start3A_10 : memref<640xf32, #tpu.memory_space<hbm>>) target(%dma_start3A : memref<640xf32, #tpu.memory_space<vmem_shared>>) target_semaphore(%run_scoped3A : memref<!tpu.dma_semaphore, #tpu.memory_space<semaphore_mem>>)
      %dma_wait3A = tpu.memref_slice %arg8[%mul3A_4] : memref<10240xf32, #tpu.memory_space<vmem_shared>> -> memref<640xf32, #tpu.memory_space<vmem_shared>>
      %dma_wait3A_11 = tpu.memref_slice %arg4[%mul3A_2] : memref<10240xf32, #tpu.memory_space<hbm>> -> memref<640xf32, #tpu.memory_space<hbm>>
      tpu.wait_dma2 semaphore(%run_scoped3A : memref<!tpu.dma_semaphore, #tpu.memory_space<semaphore_mem>>) src(%dma_wait3A_11 : memref<640xf32, #tpu.memory_space<hbm>>) dst(%dma_wait3A : memref<640xf32, #tpu.memory_space<vmem_shared>>)
      tpu.yield
    }) : () -> ()
    "tpu.region"() ({
      %run_scoped3A = tpu.sem_alloc : memref<!tpu.dma_semaphore, #tpu.memory_space<semaphore_mem>>
      %dma_start3A = arith.constant 0 : i32
      %dma_start3A_10 = tpu.memref_slice %arg2[%add3A, %dma_start3A] : memref<32x10240xi32, #tpu.memory_space<hbm>> -> memref<1x10240xi32, #tpu.memory_space<hbm>>
      %dma_start3A_11 = tpu.memref_squeeze %dma_start3A_10 : memref<1x10240xi32, #tpu.memory_space<hbm>> -> memref<10240xi32, #tpu.memory_space<hbm>>
      %dma_start3A_12 = arith.constant 0 : i32
      %dma_start3A_13 = tpu.memref_slice %arg2[%add3A, %dma_start3A_12] : memref<32x10240xi32, #tpu.memory_space<hbm>> -> memref<1x10240xi32, #tpu.memory_space<hbm>>
      %dma_start3A_14 = tpu.memref_squeeze %dma_start3A_13 : memref<1x10240xi32, #tpu.memory_space<hbm>> -> memref<10240xi32, #tpu.memory_space<hbm>>
      tpu.enqueue_dma source(%dma_start3A_14 : memref<10240xi32, #tpu.memory_space<hbm>>) target(%arg6 : memref<10240xi32, #tpu.memory_space<vmem>>) target_semaphore(%run_scoped3A : memref<!tpu.dma_semaphore, #tpu.memory_space<semaphore_mem>>)
      %dma_wait3A = arith.constant 0 : i32
      %dma_wait3A_15 = tpu.memref_slice %arg2[%add3A, %dma_wait3A] : memref<32x10240xi32, #tpu.memory_space<hbm>> -> memref<1x10240xi32, #tpu.memory_space<hbm>>
      %dma_wait3A_16 = tpu.memref_squeeze %dma_wait3A_15 : memref<1x10240xi32, #tpu.memory_space<hbm>> -> memref<10240xi32, #tpu.memory_space<hbm>>
      %dma_wait3A_17 = arith.constant 0 : i32
      %dma_wait3A_18 = tpu.memref_slice %arg2[%add3A, %dma_wait3A_17] : memref<32x10240xi32, #tpu.memory_space<hbm>> -> memref<1x10240xi32, #tpu.memory_space<hbm>>
      %dma_wait3A_19 = tpu.memref_squeeze %dma_wait3A_18 : memref<1x10240xi32, #tpu.memory_space<hbm>> -> memref<10240xi32, #tpu.memory_space<hbm>>
      tpu.wait_dma2 semaphore(%run_scoped3A : memref<!tpu.dma_semaphore, #tpu.memory_space<semaphore_mem>>) src(%dma_wait3A_19 : memref<10240xi32, #tpu.memory_space<hbm>>) dst(%arg6 : memref<10240xi32, #tpu.memory_space<vmem>>)
      tpu.yield
    }) : () -> ()
    "tpu.region"() ({
      %run_scoped3A = tpu.sem_alloc : memref<!tpu.dma_semaphore, #tpu.memory_space<semaphore_mem>>
      tpu.enqueue_dma source(%arg3 : memref<10240xf32, #tpu.memory_space<hbm>>) target(%arg7 : memref<10240xf32, #tpu.memory_space<vmem>>) target_semaphore(%run_scoped3A : memref<!tpu.dma_semaphore, #tpu.memory_space<semaphore_mem>>)
      tpu.wait_dma2 semaphore(%run_scoped3A : memref<!tpu.dma_semaphore, #tpu.memory_space<semaphore_mem>>) src(%arg3 : memref<10240xf32, #tpu.memory_space<hbm>>) dst(%arg7 : memref<10240xf32, #tpu.memory_space<vmem>>)
      tpu.yield
    }) : () -> ()
    %barrier3A = arith.constant 0 : index
    tpu.barrier barrier_id(%barrier3A)
    "tpu.region"() ({
      %run_scoped3A = tpu.sem_alloc : memref<!tpu.dma_semaphore, #tpu.memory_space<semaphore_mem>>
      %dma_start3A = arith.constant 0 : i32
      %dma_start3A_10 = tpu.memref_slice %arg8[%dma_start3A] : memref<10240xf32, #tpu.memory_space<vmem_shared>> -> memref<10240xf32, #tpu.memory_space<vmem_shared>>
      tpu.enqueue_indirect_dma source(%arg7 : memref<10240xf32, #tpu.memory_space<vmem>>) target(%dma_start3A_10 : memref<10240xf32, #tpu.memory_space<vmem_shared>>) offsets(%arg6 : memref<10240xi32, #tpu.memory_space<vmem>>) semaphore(%run_scoped3A : memref<!tpu.dma_semaphore, #tpu.memory_space<semaphore_mem>>) {add = true}
      %dma_wait3A = arith.constant 0 : i32
      %dma_wait3A_11 = tpu.memref_slice %arg8[%dma_wait3A] : memref<10240xf32, #tpu.memory_space<vmem_shared>> -> memref<10240xf32, #tpu.memory_space<vmem_shared>>
      tpu.wait_indirect_dma semaphore(%run_scoped3A : memref<!tpu.dma_semaphore, #tpu.memory_space<semaphore_mem>>) src(%arg7 : memref<10240xf32, #tpu.memory_space<vmem>>) dst(%dma_wait3A_11 : memref<10240xf32, #tpu.memory_space<vmem_shared>>)
      tpu.yield
    }) : () -> ()
    %barrier3A_5 = arith.constant 0 : index
    tpu.barrier barrier_id(%barrier3A_5)
    %mul3A_6 = arith.constant 640 : i32
    %mul3A_7 = arith.muli %arg1, %mul3A_6 : i32
    %mul3A_8 = arith.constant 640 : i32
    %mul3A_9 = arith.muli %arg1, %mul3A_8 : i32
    "tpu.region"() ({
      %run_scoped3A = tpu.sem_alloc : memref<!tpu.dma_semaphore, #tpu.memory_space<semaphore_mem>>
      %dma_start3A = tpu.memref_slice %arg5[%arg0, %mul3A_9] : memref<2x10240xf32, #tpu.memory_space<hbm>> -> memref<1x640xf32, #tpu.memory_space<hbm>>
      %dma_start3A_10 = tpu.memref_squeeze %dma_start3A : memref<1x640xf32, #tpu.memory_space<hbm>> -> memref<640xf32, #tpu.memory_space<hbm>>
      %dma_start3A_11 = tpu.memref_slice %arg8[%mul3A_7] : memref<10240xf32, #tpu.memory_space<vmem_shared>> -> memref<640xf32, #tpu.memory_space<vmem_shared>>
      tpu.enqueue_dma source(%dma_start3A_11 : memref<640xf32, #tpu.memory_space<vmem_shared>>) target(%dma_start3A_10 : memref<640xf32, #tpu.memory_space<hbm>>) target_semaphore(%run_scoped3A : memref<!tpu.dma_semaphore, #tpu.memory_space<semaphore_mem>>)
      %dma_wait3A = tpu.memref_slice %arg5[%arg0, %mul3A_9] : memref<2x10240xf32, #tpu.memory_space<hbm>> -> memref<1x640xf32, #tpu.memory_space<hbm>>
      %dma_wait3A_12 = tpu.memref_squeeze %dma_wait3A : memref<1x640xf32, #tpu.memory_space<hbm>> -> memref<640xf32, #tpu.memory_space<hbm>>
      %dma_wait3A_13 = tpu.memref_slice %arg8[%mul3A_7] : memref<10240xf32, #tpu.memory_space<vmem_shared>> -> memref<640xf32, #tpu.memory_space<vmem_shared>>
      tpu.wait_dma2 semaphore(%run_scoped3A : memref<!tpu.dma_semaphore, #tpu.memory_space<semaphore_mem>>) src(%dma_wait3A_13 : memref<640xf32, #tpu.memory_space<vmem_shared>>) dst(%dma_wait3A_12 : memref<640xf32, #tpu.memory_space<hbm>>)
      tpu.yield
    }) : () -> ()
    return
  }
}

#map = affine_map<(d0, d1) -> (0, 0, 0)>
#map1 = affine_map<(d0, d1) -> (0, 0)>
module attributes {stable_mosaic.version = 14 : i64} {
  func.func @_agg_body(%arg0: i32, %arg1: i32, %arg2: memref<32x64x160xi32, #tpu.memory_space<hbm>>, %arg3: memref<32x64x160xi32, #tpu.memory_space<hbm>>, %arg4: memref<10240x128xf32, #tpu.memory_space<hbm>>, %arg5: memref<10240x128xf32, #tpu.memory_space<hbm>>, %arg6: memref<2x10240x128xf32, #tpu.memory_space<hbm>>, %arg7: memref<160xi32, #tpu.memory_space<vmem>>, %arg8: memref<160xi32, #tpu.memory_space<vmem>>, %arg9: memref<160xi32, #tpu.memory_space<vmem>>, %arg10: memref<160xi32, #tpu.memory_space<vmem>>, %arg11: memref<160x128xf32, #tpu.memory_space<vmem>>, %arg12: memref<160x128xf32, #tpu.memory_space<vmem>>, %arg13: memref<10240x128xf32, #tpu.memory_space<vmem_shared>>, %arg14: memref<!tpu.dma_semaphore, #tpu.memory_space<semaphore_mem>>, %arg15: memref<!tpu.dma_semaphore, #tpu.memory_space<semaphore_mem>>) attributes {dimension_semantics = [#tpu.dimension_semantics<core_parallel>, #tpu.dimension_semantics<subcore_parallel>], iteration_bounds = array<i64: 2, 16>, scalar_prefetch = 0 : i64, scratch_operands = 9 : i64, tpu.core_type = #tpu.core_type<sc_vector_subcore>, window_params = [{transform_indices = #map}, {transform_indices = #map}, {transform_indices = #map1}, {transform_indices = #map1}, {transform_indices = #map}]} {
    %mul3A = arith.constant 16 : i32
    %mul3A_0 = arith.muli %arg0, %mul3A : i32
    %add3A = arith.addi %mul3A_0, %arg1 : i32
    %mul3A_1 = arith.constant 640 : i32
    %mul3A_2 = arith.muli %arg1, %mul3A_1 : i32
    %mul3A_3 = arith.constant 640 : i32
    %mul3A_4 = arith.muli %arg1, %mul3A_3 : i32
    "tpu.region"() ({
      %run_scoped3A = tpu.sem_alloc : memref<!tpu.dma_semaphore, #tpu.memory_space<semaphore_mem>>
      %dma_start3A = arith.constant 0 : i32
      %dma_start3A_15 = tpu.memref_slice %arg13[%mul3A_4, %dma_start3A] : memref<10240x128xf32, #tpu.memory_space<vmem_shared>> -> memref<640x128xf32, #tpu.memory_space<vmem_shared>>
      %dma_start3A_16 = arith.constant 0 : i32
      %dma_start3A_17 = tpu.memref_slice %arg5[%mul3A_2, %dma_start3A_16] : memref<10240x128xf32, #tpu.memory_space<hbm>> -> memref<640x128xf32, #tpu.memory_space<hbm>>
      tpu.enqueue_dma source(%dma_start3A_17 : memref<640x128xf32, #tpu.memory_space<hbm>>) target(%dma_start3A_15 : memref<640x128xf32, #tpu.memory_space<vmem_shared>>) target_semaphore(%run_scoped3A : memref<!tpu.dma_semaphore, #tpu.memory_space<semaphore_mem>>)
      %dma_wait3A = arith.constant 0 : i32
      %dma_wait3A_18 = tpu.memref_slice %arg13[%mul3A_4, %dma_wait3A] : memref<10240x128xf32, #tpu.memory_space<vmem_shared>> -> memref<640x128xf32, #tpu.memory_space<vmem_shared>>
      %dma_wait3A_19 = arith.constant 0 : i32
      %dma_wait3A_20 = tpu.memref_slice %arg5[%mul3A_2, %dma_wait3A_19] : memref<10240x128xf32, #tpu.memory_space<hbm>> -> memref<640x128xf32, #tpu.memory_space<hbm>>
      tpu.wait_dma2 semaphore(%run_scoped3A : memref<!tpu.dma_semaphore, #tpu.memory_space<semaphore_mem>>) src(%dma_wait3A_20 : memref<640x128xf32, #tpu.memory_space<hbm>>) dst(%dma_wait3A_18 : memref<640x128xf32, #tpu.memory_space<vmem_shared>>)
      tpu.yield
    }) : () -> ()
    %barrier3A = arith.constant 0 : index
    tpu.barrier barrier_id(%barrier3A)
    %scan3A = arith.constant 0 : i32
    %scan3A_5 = arith.constant 0 : i32
    %scan3A_6 = arith.constant 32 : i32
    %scan3A_7 = arith.addi %scan3A_5, %scan3A_6 : i32
    %scan3A_8 = arith.constant 1 : i32
    scf.for %scan3A_15 = %scan3A_5 to %scan3A_7 step %scan3A_8  : i32 {
      %mul3A_16 = arith.constant 2 : i32
      %mul3A_17 = arith.muli %mul3A_16, %scan3A_15 : i32
      %mul3A_18 = arith.constant 2 : i32
      %mul3A_19 = arith.muli %mul3A_18, %scan3A_15 : i32
      %add3A_20 = arith.constant 1 : i32
      %add3A_21 = arith.addi %mul3A_19, %add3A_20 : i32
      "tpu.region"() ({
        %run_scoped3A = tpu.sem_alloc : memref<!tpu.dma_semaphore, #tpu.memory_space<semaphore_mem>>
        %dma_start3A_32 = arith.constant 0 : i32
        %dma_start3A_33 = tpu.memref_slice %arg2[%add3A, %mul3A_17, %dma_start3A_32] : memref<32x64x160xi32, #tpu.memory_space<hbm>> -> memref<1x1x160xi32, #tpu.memory_space<hbm>>
        %dma_start3A_34 = tpu.memref_squeeze %dma_start3A_33 : memref<1x1x160xi32, #tpu.memory_space<hbm>> -> memref<160xi32, #tpu.memory_space<hbm>>
        %dma_start3A_35 = arith.constant 0 : i32
        %dma_start3A_36 = tpu.memref_slice %arg2[%add3A, %mul3A_17, %dma_start3A_35] : memref<32x64x160xi32, #tpu.memory_space<hbm>> -> memref<1x1x160xi32, #tpu.memory_space<hbm>>
        %dma_start3A_37 = tpu.memref_squeeze %dma_start3A_36 : memref<1x1x160xi32, #tpu.memory_space<hbm>> -> memref<160xi32, #tpu.memory_space<hbm>>
        tpu.enqueue_dma source(%dma_start3A_37 : memref<160xi32, #tpu.memory_space<hbm>>) target(%arg7 : memref<160xi32, #tpu.memory_space<vmem>>) target_semaphore(%run_scoped3A : memref<!tpu.dma_semaphore, #tpu.memory_space<semaphore_mem>>)
        %dma_wait3A_38 = arith.constant 0 : i32
        %dma_wait3A_39 = tpu.memref_slice %arg2[%add3A, %mul3A_17, %dma_wait3A_38] : memref<32x64x160xi32, #tpu.memory_space<hbm>> -> memref<1x1x160xi32, #tpu.memory_space<hbm>>
        %dma_wait3A_40 = tpu.memref_squeeze %dma_wait3A_39 : memref<1x1x160xi32, #tpu.memory_space<hbm>> -> memref<160xi32, #tpu.memory_space<hbm>>
        %dma_wait3A_41 = arith.constant 0 : i32
        %dma_wait3A_42 = tpu.memref_slice %arg2[%add3A, %mul3A_17, %dma_wait3A_41] : memref<32x64x160xi32, #tpu.memory_space<hbm>> -> memref<1x1x160xi32, #tpu.memory_space<hbm>>
        %dma_wait3A_43 = tpu.memref_squeeze %dma_wait3A_42 : memref<1x1x160xi32, #tpu.memory_space<hbm>> -> memref<160xi32, #tpu.memory_space<hbm>>
        tpu.wait_dma2 semaphore(%run_scoped3A : memref<!tpu.dma_semaphore, #tpu.memory_space<semaphore_mem>>) src(%dma_wait3A_43 : memref<160xi32, #tpu.memory_space<hbm>>) dst(%arg7 : memref<160xi32, #tpu.memory_space<vmem>>)
        tpu.yield
      }) : () -> ()
      "tpu.region"() ({
        %run_scoped3A = tpu.sem_alloc : memref<!tpu.dma_semaphore, #tpu.memory_space<semaphore_mem>>
        %dma_start3A_32 = arith.constant 0 : i32
        %dma_start3A_33 = tpu.memref_slice %arg3[%add3A, %mul3A_17, %dma_start3A_32] : memref<32x64x160xi32, #tpu.memory_space<hbm>> -> memref<1x1x160xi32, #tpu.memory_space<hbm>>
        %dma_start3A_34 = tpu.memref_squeeze %dma_start3A_33 : memref<1x1x160xi32, #tpu.memory_space<hbm>> -> memref<160xi32, #tpu.memory_space<hbm>>
        %dma_start3A_35 = arith.constant 0 : i32
        %dma_start3A_36 = tpu.memref_slice %arg3[%add3A, %mul3A_17, %dma_start3A_35] : memref<32x64x160xi32, #tpu.memory_space<hbm>> -> memref<1x1x160xi32, #tpu.memory_space<hbm>>
        %dma_start3A_37 = tpu.memref_squeeze %dma_start3A_36 : memref<1x1x160xi32, #tpu.memory_space<hbm>> -> memref<160xi32, #tpu.memory_space<hbm>>
        tpu.enqueue_dma source(%dma_start3A_37 : memref<160xi32, #tpu.memory_space<hbm>>) target(%arg8 : memref<160xi32, #tpu.memory_space<vmem>>) target_semaphore(%run_scoped3A : memref<!tpu.dma_semaphore, #tpu.memory_space<semaphore_mem>>)
        %dma_wait3A_38 = arith.constant 0 : i32
        %dma_wait3A_39 = tpu.memref_slice %arg3[%add3A, %mul3A_17, %dma_wait3A_38] : memref<32x64x160xi32, #tpu.memory_space<hbm>> -> memref<1x1x160xi32, #tpu.memory_space<hbm>>
        %dma_wait3A_40 = tpu.memref_squeeze %dma_wait3A_39 : memref<1x1x160xi32, #tpu.memory_space<hbm>> -> memref<160xi32, #tpu.memory_space<hbm>>
        %dma_wait3A_41 = arith.constant 0 : i32
        %dma_wait3A_42 = tpu.memref_slice %arg3[%add3A, %mul3A_17, %dma_wait3A_41] : memref<32x64x160xi32, #tpu.memory_space<hbm>> -> memref<1x1x160xi32, #tpu.memory_space<hbm>>
        %dma_wait3A_43 = tpu.memref_squeeze %dma_wait3A_42 : memref<1x1x160xi32, #tpu.memory_space<hbm>> -> memref<160xi32, #tpu.memory_space<hbm>>
        tpu.wait_dma2 semaphore(%run_scoped3A : memref<!tpu.dma_semaphore, #tpu.memory_space<semaphore_mem>>) src(%dma_wait3A_43 : memref<160xi32, #tpu.memory_space<hbm>>) dst(%arg8 : memref<160xi32, #tpu.memory_space<vmem>>)
        tpu.yield
      }) : () -> ()
      %dma_start3A = arith.constant 0 : i32
      %dma_start3A_22 = arith.constant 0 : i32
      %dma_start3A_23 = tpu.memref_slice %arg4[%dma_start3A, %dma_start3A_22] : memref<10240x128xf32, #tpu.memory_space<hbm>> -> memref<10240x128xf32, #tpu.memory_space<hbm>>
      tpu.enqueue_indirect_dma source(%dma_start3A_23 : memref<10240x128xf32, #tpu.memory_space<hbm>>) target(%arg11 : memref<160x128xf32, #tpu.memory_space<vmem>>) offsets(%arg7 : memref<160xi32, #tpu.memory_space<vmem>>) semaphore(%arg14 : memref<!tpu.dma_semaphore, #tpu.memory_space<semaphore_mem>>)
      "tpu.region"() ({
        %run_scoped3A = tpu.sem_alloc : memref<!tpu.dma_semaphore, #tpu.memory_space<semaphore_mem>>
        %dma_start3A_32 = arith.constant 0 : i32
        %dma_start3A_33 = tpu.memref_slice %arg2[%add3A, %add3A_21, %dma_start3A_32] : memref<32x64x160xi32, #tpu.memory_space<hbm>> -> memref<1x1x160xi32, #tpu.memory_space<hbm>>
        %dma_start3A_34 = tpu.memref_squeeze %dma_start3A_33 : memref<1x1x160xi32, #tpu.memory_space<hbm>> -> memref<160xi32, #tpu.memory_space<hbm>>
        %dma_start3A_35 = arith.constant 0 : i32
        %dma_start3A_36 = tpu.memref_slice %arg2[%add3A, %add3A_21, %dma_start3A_35] : memref<32x64x160xi32, #tpu.memory_space<hbm>> -> memref<1x1x160xi32, #tpu.memory_space<hbm>>
        %dma_start3A_37 = tpu.memref_squeeze %dma_start3A_36 : memref<1x1x160xi32, #tpu.memory_space<hbm>> -> memref<160xi32, #tpu.memory_space<hbm>>
        tpu.enqueue_dma source(%dma_start3A_37 : memref<160xi32, #tpu.memory_space<hbm>>) target(%arg9 : memref<160xi32, #tpu.memory_space<vmem>>) target_semaphore(%run_scoped3A : memref<!tpu.dma_semaphore, #tpu.memory_space<semaphore_mem>>)
        %dma_wait3A_38 = arith.constant 0 : i32
        %dma_wait3A_39 = tpu.memref_slice %arg2[%add3A, %add3A_21, %dma_wait3A_38] : memref<32x64x160xi32, #tpu.memory_space<hbm>> -> memref<1x1x160xi32, #tpu.memory_space<hbm>>
        %dma_wait3A_40 = tpu.memref_squeeze %dma_wait3A_39 : memref<1x1x160xi32, #tpu.memory_space<hbm>> -> memref<160xi32, #tpu.memory_space<hbm>>
        %dma_wait3A_41 = arith.constant 0 : i32
        %dma_wait3A_42 = tpu.memref_slice %arg2[%add3A, %add3A_21, %dma_wait3A_41] : memref<32x64x160xi32, #tpu.memory_space<hbm>> -> memref<1x1x160xi32, #tpu.memory_space<hbm>>
        %dma_wait3A_43 = tpu.memref_squeeze %dma_wait3A_42 : memref<1x1x160xi32, #tpu.memory_space<hbm>> -> memref<160xi32, #tpu.memory_space<hbm>>
        tpu.wait_dma2 semaphore(%run_scoped3A : memref<!tpu.dma_semaphore, #tpu.memory_space<semaphore_mem>>) src(%dma_wait3A_43 : memref<160xi32, #tpu.memory_space<hbm>>) dst(%arg9 : memref<160xi32, #tpu.memory_space<vmem>>)
        tpu.yield
      }) : () -> ()
      "tpu.region"() ({
        %run_scoped3A = tpu.sem_alloc : memref<!tpu.dma_semaphore, #tpu.memory_space<semaphore_mem>>
        %dma_start3A_32 = arith.constant 0 : i32
        %dma_start3A_33 = tpu.memref_slice %arg3[%add3A, %add3A_21, %dma_start3A_32] : memref<32x64x160xi32, #tpu.memory_space<hbm>> -> memref<1x1x160xi32, #tpu.memory_space<hbm>>
        %dma_start3A_34 = tpu.memref_squeeze %dma_start3A_33 : memref<1x1x160xi32, #tpu.memory_space<hbm>> -> memref<160xi32, #tpu.memory_space<hbm>>
        %dma_start3A_35 = arith.constant 0 : i32
        %dma_start3A_36 = tpu.memref_slice %arg3[%add3A, %add3A_21, %dma_start3A_35] : memref<32x64x160xi32, #tpu.memory_space<hbm>> -> memref<1x1x160xi32, #tpu.memory_space<hbm>>
        %dma_start3A_37 = tpu.memref_squeeze %dma_start3A_36 : memref<1x1x160xi32, #tpu.memory_space<hbm>> -> memref<160xi32, #tpu.memory_space<hbm>>
        tpu.enqueue_dma source(%dma_start3A_37 : memref<160xi32, #tpu.memory_space<hbm>>) target(%arg10 : memref<160xi32, #tpu.memory_space<vmem>>) target_semaphore(%run_scoped3A : memref<!tpu.dma_semaphore, #tpu.memory_space<semaphore_mem>>)
        %dma_wait3A_38 = arith.constant 0 : i32
        %dma_wait3A_39 = tpu.memref_slice %arg3[%add3A, %add3A_21, %dma_wait3A_38] : memref<32x64x160xi32, #tpu.memory_space<hbm>> -> memref<1x1x160xi32, #tpu.memory_space<hbm>>
        %dma_wait3A_40 = tpu.memref_squeeze %dma_wait3A_39 : memref<1x1x160xi32, #tpu.memory_space<hbm>> -> memref<160xi32, #tpu.memory_space<hbm>>
        %dma_wait3A_41 = arith.constant 0 : i32
        %dma_wait3A_42 = tpu.memref_slice %arg3[%add3A, %add3A_21, %dma_wait3A_41] : memref<32x64x160xi32, #tpu.memory_space<hbm>> -> memref<1x1x160xi32, #tpu.memory_space<hbm>>
        %dma_wait3A_43 = tpu.memref_squeeze %dma_wait3A_42 : memref<1x1x160xi32, #tpu.memory_space<hbm>> -> memref<160xi32, #tpu.memory_space<hbm>>
        tpu.wait_dma2 semaphore(%run_scoped3A : memref<!tpu.dma_semaphore, #tpu.memory_space<semaphore_mem>>) src(%dma_wait3A_43 : memref<160xi32, #tpu.memory_space<hbm>>) dst(%arg10 : memref<160xi32, #tpu.memory_space<vmem>>)
        tpu.yield
      }) : () -> ()
      %dma_start3A_24 = arith.constant 0 : i32
      %dma_start3A_25 = arith.constant 0 : i32
      %dma_start3A_26 = tpu.memref_slice %arg4[%dma_start3A_24, %dma_start3A_25] : memref<10240x128xf32, #tpu.memory_space<hbm>> -> memref<10240x128xf32, #tpu.memory_space<hbm>>
      tpu.enqueue_indirect_dma source(%dma_start3A_26 : memref<10240x128xf32, #tpu.memory_space<hbm>>) target(%arg12 : memref<160x128xf32, #tpu.memory_space<vmem>>) offsets(%arg9 : memref<160xi32, #tpu.memory_space<vmem>>) semaphore(%arg15 : memref<!tpu.dma_semaphore, #tpu.memory_space<semaphore_mem>>)
      %dma_wait3A = arith.constant 0 : i32
      %dma_wait3A_27 = arith.constant 0 : i32
      %dma_wait3A_28 = tpu.memref_slice %arg4[%dma_wait3A, %dma_wait3A_27] : memref<10240x128xf32, #tpu.memory_space<hbm>> -> memref<10240x128xf32, #tpu.memory_space<hbm>>
      tpu.wait_indirect_dma semaphore(%arg14 : memref<!tpu.dma_semaphore, #tpu.memory_space<semaphore_mem>>) src(%dma_wait3A_28 : memref<10240x128xf32, #tpu.memory_space<hbm>>) dst(%arg11 : memref<160x128xf32, #tpu.memory_space<vmem>>)
      "tpu.region"() ({
        %run_scoped3A = tpu.sem_alloc : memref<!tpu.dma_semaphore, #tpu.memory_space<semaphore_mem>>
        %dma_start3A_32 = arith.constant 0 : i32
        %dma_start3A_33 = arith.constant 0 : i32
        %dma_start3A_34 = tpu.memref_slice %arg13[%dma_start3A_32, %dma_start3A_33] : memref<10240x128xf32, #tpu.memory_space<vmem_shared>> -> memref<10240x128xf32, #tpu.memory_space<vmem_shared>>
        tpu.enqueue_indirect_dma source(%arg11 : memref<160x128xf32, #tpu.memory_space<vmem>>) target(%dma_start3A_34 : memref<10240x128xf32, #tpu.memory_space<vmem_shared>>) offsets(%arg8 : memref<160xi32, #tpu.memory_space<vmem>>) semaphore(%run_scoped3A : memref<!tpu.dma_semaphore, #tpu.memory_space<semaphore_mem>>) {add = true}
        %dma_wait3A_35 = arith.constant 0 : i32
        %dma_wait3A_36 = arith.constant 0 : i32
        %dma_wait3A_37 = tpu.memref_slice %arg13[%dma_wait3A_35, %dma_wait3A_36] : memref<10240x128xf32, #tpu.memory_space<vmem_shared>> -> memref<10240x128xf32, #tpu.memory_space<vmem_shared>>
        tpu.wait_indirect_dma semaphore(%run_scoped3A : memref<!tpu.dma_semaphore, #tpu.memory_space<semaphore_mem>>) src(%arg11 : memref<160x128xf32, #tpu.memory_space<vmem>>) dst(%dma_wait3A_37 : memref<10240x128xf32, #tpu.memory_space<vmem_shared>>)
        tpu.yield
      }) : () -> ()
      %dma_wait3A_29 = arith.constant 0 : i32
      %dma_wait3A_30 = arith.constant 0 : i32
      %dma_wait3A_31 = tpu.memref_slice %arg4[%dma_wait3A_29, %dma_wait3A_30] : memref<10240x128xf32, #tpu.memory_space<hbm>> -> memref<10240x128xf32, #tpu.memory_space<hbm>>
      tpu.wait_indirect_dma semaphore(%arg15 : memref<!tpu.dma_semaphore, #tpu.memory_space<semaphore_mem>>) src(%dma_wait3A_31 : memref<10240x128xf32, #tpu.memory_space<hbm>>) dst(%arg12 : memref<160x128xf32, #tpu.memory_space<vmem>>)
      "tpu.region"() ({
        %run_scoped3A = tpu.sem_alloc : memref<!tpu.dma_semaphore, #tpu.memory_space<semaphore_mem>>
        %dma_start3A_32 = arith.constant 0 : i32
        %dma_start3A_33 = arith.constant 0 : i32
        %dma_start3A_34 = tpu.memref_slice %arg13[%dma_start3A_32, %dma_start3A_33] : memref<10240x128xf32, #tpu.memory_space<vmem_shared>> -> memref<10240x128xf32, #tpu.memory_space<vmem_shared>>
        tpu.enqueue_indirect_dma source(%arg12 : memref<160x128xf32, #tpu.memory_space<vmem>>) target(%dma_start3A_34 : memref<10240x128xf32, #tpu.memory_space<vmem_shared>>) offsets(%arg10 : memref<160xi32, #tpu.memory_space<vmem>>) semaphore(%run_scoped3A : memref<!tpu.dma_semaphore, #tpu.memory_space<semaphore_mem>>) {add = true}
        %dma_wait3A_35 = arith.constant 0 : i32
        %dma_wait3A_36 = arith.constant 0 : i32
        %dma_wait3A_37 = tpu.memref_slice %arg13[%dma_wait3A_35, %dma_wait3A_36] : memref<10240x128xf32, #tpu.memory_space<vmem_shared>> -> memref<10240x128xf32, #tpu.memory_space<vmem_shared>>
        tpu.wait_indirect_dma semaphore(%run_scoped3A : memref<!tpu.dma_semaphore, #tpu.memory_space<semaphore_mem>>) src(%arg12 : memref<160x128xf32, #tpu.memory_space<vmem>>) dst(%dma_wait3A_37 : memref<10240x128xf32, #tpu.memory_space<vmem_shared>>)
        tpu.yield
      }) : () -> ()
    }
    %scan3A_9 = arith.constant 32 : i32
    %barrier3A_10 = arith.constant 0 : index
    tpu.barrier barrier_id(%barrier3A_10)
    %mul3A_11 = arith.constant 640 : i32
    %mul3A_12 = arith.muli %arg1, %mul3A_11 : i32
    %mul3A_13 = arith.constant 640 : i32
    %mul3A_14 = arith.muli %arg1, %mul3A_13 : i32
    "tpu.region"() ({
      %run_scoped3A = tpu.sem_alloc : memref<!tpu.dma_semaphore, #tpu.memory_space<semaphore_mem>>
      %dma_start3A = arith.constant 0 : i32
      %dma_start3A_15 = tpu.memref_slice %arg6[%arg0, %mul3A_14, %dma_start3A] : memref<2x10240x128xf32, #tpu.memory_space<hbm>> -> memref<1x640x128xf32, #tpu.memory_space<hbm>>
      %dma_start3A_16 = tpu.memref_squeeze %dma_start3A_15 : memref<1x640x128xf32, #tpu.memory_space<hbm>> -> memref<640x128xf32, #tpu.memory_space<hbm>>
      %dma_start3A_17 = arith.constant 0 : i32
      %dma_start3A_18 = tpu.memref_slice %arg13[%mul3A_12, %dma_start3A_17] : memref<10240x128xf32, #tpu.memory_space<vmem_shared>> -> memref<640x128xf32, #tpu.memory_space<vmem_shared>>
      tpu.enqueue_dma source(%dma_start3A_18 : memref<640x128xf32, #tpu.memory_space<vmem_shared>>) target(%dma_start3A_16 : memref<640x128xf32, #tpu.memory_space<hbm>>) target_semaphore(%run_scoped3A : memref<!tpu.dma_semaphore, #tpu.memory_space<semaphore_mem>>)
      %dma_wait3A = arith.constant 0 : i32
      %dma_wait3A_19 = tpu.memref_slice %arg6[%arg0, %mul3A_14, %dma_wait3A] : memref<2x10240x128xf32, #tpu.memory_space<hbm>> -> memref<1x640x128xf32, #tpu.memory_space<hbm>>
      %dma_wait3A_20 = tpu.memref_squeeze %dma_wait3A_19 : memref<1x640x128xf32, #tpu.memory_space<hbm>> -> memref<640x128xf32, #tpu.memory_space<hbm>>
      %dma_wait3A_21 = arith.constant 0 : i32
      %dma_wait3A_22 = tpu.memref_slice %arg13[%mul3A_12, %dma_wait3A_21] : memref<10240x128xf32, #tpu.memory_space<vmem_shared>> -> memref<640x128xf32, #tpu.memory_space<vmem_shared>>
      tpu.wait_dma2 semaphore(%run_scoped3A : memref<!tpu.dma_semaphore, #tpu.memory_space<semaphore_mem>>) src(%dma_wait3A_22 : memref<640x128xf32, #tpu.memory_space<vmem_shared>>) dst(%dma_wait3A_20 : memref<640x128xf32, #tpu.memory_space<hbm>>)
      tpu.yield
    }) : () -> ()
    return
  }
}

module attributes {stable_mosaic.version = 14 : i64} {
  func.func @_scale_body(%arg0: i32, %arg1: memref<2x1280xf32, #tpu.memory_space<vmem>>, %arg2: memref<1280x128xf32, #tpu.memory_space<vmem>>, %arg3: memref<1280x128xf32, #tpu.memory_space<vmem>>) attributes {dimension_semantics = [#tpu.dimension_semantics<arbitrary>], iteration_bounds = array<i64: 8>, scalar_prefetch = 0 : i64, scratch_operands = 0 : i64, tpu.core_type = #tpu.core_type<tc>, window_params = [{transform_indices = @transform_0, window_bounds = array<i64: 2, 1280>}, {transform_indices = @transform_1, window_bounds = array<i64: 1280, 128>}, {transform_indices = @transform_2, window_bounds = array<i64: 1280, 128>}]} {
    %get3A = arith.constant 0 : index
    %get3A_0 = arith.constant 0 : index
    %get3A_1 = vector.load %arg1[%get3A, %get3A_0] : memref<2x1280xf32, #tpu.memory_space<vmem>>, vector<1x1280xf32>
    %get3A_2 = vector.shape_cast %get3A_1 : vector<1x1280xf32> to vector<1280xf32>
    %get3A_3 = arith.constant 1 : index
    %get3A_4 = arith.constant 0 : index
    %get3A_5 = vector.load %arg1[%get3A_3, %get3A_4] : memref<2x1280xf32, #tpu.memory_space<vmem>>, vector<1x1280xf32>
    %get3A_6 = vector.shape_cast %get3A_5 : vector<1x1280xf32> to vector<1280xf32>
    %add3A = arith.addf %get3A_2, %get3A_6 : vector<1280xf32>
    %max3A = arith.constant 1.000000e+00 : f32
    %max3A_7 = vector.broadcast %max3A : f32 to vector<1280xf32>
    %max3A_8 = arith.maximumf %add3A, %max3A_7 : vector<1280xf32>
    %rsqrt3A = math.rsqrt %max3A_8 : vector<1280xf32>
    %get3A_9 = arith.constant 0 : index
    %get3A_10 = arith.constant 0 : index
    %get3A_11 = vector.load %arg2[%get3A_9, %get3A_10] : memref<1280x128xf32, #tpu.memory_space<vmem>>, vector<1280x128xf32>
    %broadcast_in_dim3A = vector.shape_cast %rsqrt3A : vector<1280xf32> to vector<1280x1xf32>
    %mul3A = vector.broadcast %broadcast_in_dim3A : vector<1280x1xf32> to vector<1280x128xf32>
    %mul3A_12 = arith.mulf %get3A_11, %mul3A : vector<1280x128xf32>
    %swap3A = arith.constant 0 : index
    %swap3A_13 = arith.constant 0 : index
    %swap3A_14 = vector.load %arg3[%swap3A, %swap3A_13] : memref<1280x128xf32, #tpu.memory_space<vmem>>, vector<1280x128xf32>
    tpu.vector_store %arg3[%swap3A, %swap3A_13], %mul3A_12 {strides = array<i32>} : memref<1280x128xf32, #tpu.memory_space<vmem>>, vector<1280x128xf32>,
    return
  }
  func.func @transform_0(%arg0: i32) -> (i32, i32) {
    %c0_i32 = arith.constant 0 : i32
    %c0_i32_0 = arith.constant 0 : i32
    return %c0_i32, %arg0 : i32, i32
  }
  func.func @transform_1(%arg0: i32) -> (i32, i32) {
    %c0_i32 = arith.constant 0 : i32
    %c0_i32_0 = arith.constant 0 : i32
    return %arg0, %c0_i32 : i32, i32
  }
  func.func @transform_2(%arg0: i32) -> (i32, i32) {
    %c0_i32 = arith.constant 0 : i32
    %c0_i32_0 = arith.constant 0 : i32
    return %arg0, %c0_i32 : i32, i32
  }
}

module attributes {stable_mosaic.version = 14 : i64} {
  func.func @_final_body(%arg0: i32, %arg1: memref<2x1280xf32, #tpu.memory_space<vmem>>, %arg2: memref<2x1280x128xf32, #tpu.memory_space<vmem>>, %arg3: memref<1280x128xf32, #tpu.memory_space<vmem>>) attributes {dimension_semantics = [#tpu.dimension_semantics<arbitrary>], iteration_bounds = array<i64: 8>, scalar_prefetch = 0 : i64, scratch_operands = 0 : i64, tpu.core_type = #tpu.core_type<tc>, window_params = [{transform_indices = @transform_0, window_bounds = array<i64: 2, 1280>}, {transform_indices = @transform_1, window_bounds = array<i64: 2, 1280, 128>}, {transform_indices = @transform_2, window_bounds = array<i64: 1280, 128>}]} {
    %get3A = arith.constant 0 : index
    %get3A_0 = arith.constant 0 : index
    %get3A_1 = vector.load %arg1[%get3A, %get3A_0] : memref<2x1280xf32, #tpu.memory_space<vmem>>, vector<1x1280xf32>
    %get3A_2 = vector.shape_cast %get3A_1 : vector<1x1280xf32> to vector<1280xf32>
    %get3A_3 = arith.constant 1 : index
    %get3A_4 = arith.constant 0 : index
    %get3A_5 = vector.load %arg1[%get3A_3, %get3A_4] : memref<2x1280xf32, #tpu.memory_space<vmem>>, vector<1x1280xf32>
    %get3A_6 = vector.shape_cast %get3A_5 : vector<1x1280xf32> to vector<1280xf32>
    %add3A = arith.addf %get3A_2, %get3A_6 : vector<1280xf32>
    %max3A = arith.constant 1.000000e+00 : f32
    %max3A_7 = vector.broadcast %max3A : f32 to vector<1280xf32>
    %max3A_8 = arith.maximumf %add3A, %max3A_7 : vector<1280xf32>
    %rsqrt3A = math.rsqrt %max3A_8 : vector<1280xf32>
    %get3A_9 = arith.constant 0 : index
    %get3A_10 = arith.constant 0 : index
    %get3A_11 = arith.constant 0 : index
    %get3A_12 = vector.load %arg2[%get3A_9, %get3A_10, %get3A_11] : memref<2x1280x128xf32, #tpu.memory_space<vmem>>, vector<1x1280x128xf32>
    %get3A_13 = vector.shape_cast %get3A_12 : vector<1x1280x128xf32> to vector<1280x128xf32>
    %get3A_14 = arith.constant 1 : index
    %get3A_15 = arith.constant 0 : index
    %get3A_16 = arith.constant 0 : index
    %get3A_17 = vector.load %arg2[%get3A_14, %get3A_15, %get3A_16] : memref<2x1280x128xf32, #tpu.memory_space<vmem>>, vector<1x1280x128xf32>
    %get3A_18 = vector.shape_cast %get3A_17 : vector<1x1280x128xf32> to vector<1280x128xf32>
    %add3A_19 = arith.addf %get3A_13, %get3A_18 : vector<1280x128xf32>
    %broadcast_in_dim3A = vector.shape_cast %rsqrt3A : vector<1280xf32> to vector<1280x1xf32>
    %mul3A = vector.broadcast %broadcast_in_dim3A : vector<1280x1xf32> to vector<1280x128xf32>
    %mul3A_20 = arith.mulf %add3A_19, %mul3A : vector<1280x128xf32>
    %swap3A = arith.constant 0 : index
    %swap3A_21 = arith.constant 0 : index
    %swap3A_22 = vector.load %arg3[%swap3A, %swap3A_21] : memref<1280x128xf32, #tpu.memory_space<vmem>>, vector<1280x128xf32>
    tpu.vector_store %arg3[%swap3A, %swap3A_21], %mul3A_20 {strides = array<i32>} : memref<1280x128xf32, #tpu.memory_space<vmem>>, vector<1280x128xf32>,
    return
  }
  func.func @transform_0(%arg0: i32) -> (i32, i32) {
    %c0_i32 = arith.constant 0 : i32
    %c0_i32_0 = arith.constant 0 : i32
    return %c0_i32, %arg0 : i32, i32
  }
  func.func @transform_1(%arg0: i32) -> (i32, i32, i32) {
    %c0_i32 = arith.constant 0 : i32
    %c0_i32_0 = arith.constant 0 : i32
    %c0_i32_1 = arith.constant 0 : i32
    return %c0_i32, %arg0, %c0_i32_0 : i32, i32, i32
  }
  func.func @transform_2(%arg0: i32) -> (i32, i32) {
    %c0_i32 = arith.constant 0 : i32
    %c0_i32_0 = arith.constant 0 : i32
    return %arg0, %c0_i32 : i32, i32
  }
}

</mosaic_0001>

<sc_bundles>
// kernel: kernel.6.cloned.1.call-start
scs
__scs_entry_jumppad:
0x0: {  	(pc) =	sbr.rel $0x88, $3  }
0x1: {  	(tag) =	ssettag $0x0;
	lr =	simm.s32 $0x1  }
0x2: {  	[smem:$0x3F9E] =	sst lr;
	_ =	strace $0xD0000000  }
0x3: {  	_ = 	snop  }
0x4: {  	_ = 	snop  }
0x5: {  	_ = 	snop  }
0x6: {  	_ = 	snop  }
0x7: {  	_ = 	snop  }
__scs_overlays_trampoline_lowered:
0x8: {  	[smem:$0x3FAD] =	sst s0  }
0x9: {  	[smem:$0x3FAE] =	sst s1  }
0xa: {  	[smem:$0x3FAF] =	sst s2  }
0xb: {  	[smem:$0x3FB0] =	sst s3  }
0xc: {  	[smem:$0x3FB1] =	sst s4  }
0xd: {  	[smem:$0x3FB2] =	sst s5  }
0xe: {  	[smem:$0x3FB3] =	sst s6  }
0xf: {  	[smem:$0x3FB4] =	sst s7  }
0x10: {  	[smem:$0x3FB5] =	sst s8  }
0x11: {  	[smem:$0x3FB6] =	sst s9;
	s0 =	simm.s32 @!p0 $0x0  }
0x12: {  	s1 =	sld [smem:$0x3F9C];
	s0 =	simm.s32 @p0 $0x1  }
0x13: {  	[smem:$0x3FB7] =	sst s0;
	s0 =	simm.s32 @!p1 $0x0  }
0x14: {  	s2 =	sld [smem:$0x3F9B];
	s0 =	simm.s32 @p1 $0x1  }
0x15: {  	[smem:$0x3FB8] =	sst s0;
	s0 =	simm.s32 @!p2 $0x0  }
0x16: {  	s3 =	sld [smem:$0x3FDB];
	s0 =	simm.s32 @p2 $0x1  }
0x17: {  	s4 =	simm.s32 $0x1BF5;
	[smem:$0x3FBA] =	sst s0  }
0x18: {  	s0 =	sld [smem:$0x3F9D];
	_ =	swait.ge [sflag:s4], $0x0  }
0x19: {  	s7 =	sld [smem:$0x3F9E]  }
0x1a: {  	s8 =	sadd.s32 $0xFFFFE003, lr  }
0x1b: {  	s9 =	sadd.s32 $0xFFFFFEF7, lr;
	s5 =	simm.s32 $0xFFFFFFFF;
	p2 =	slt.u32 s8, $0xFFFFF086  }
0x1c: {  	p1 =	slt.u32 s9, $0xF7A;
	s5 =	simm.s32 @!p2 $0x0  }
0x1d: {  	s5 =	simm.s32 @p1 $0x1;
	p0 =	seq.s32 s7, s2  }
0x1e: {  	s7 =	smul.u32 @!p0 $0xF7A, s2;
	p2 =	seq.s32 @!p0 s5, $0x0  }
0x1f: {  	s9 =	smul.u32 $0xF7A, s1;
	s8 =	simm.s32 @!p0 $0x1BF5;
	p2 =	por !p2, p0  }
0x20: {  	[sflag:s8] =	ssyncset.s32 @!p0 $0xFFFFF086;
	s6 =	sadd.s32 @!p0 s3, s7;
	s7 =	simm.s32 @!p0 $0x108  }
0x21: {  	s3 =	sadd.s32 s3, s9;
	s6 =	sadd.s32 @!p0 $0x88, s6;
	s7 =	simm.s32 @p2 $0x1082  }
0x22: {  	[simem:s7], [sflag:s8] =	dma.local @!p0 [hbm:s6], $0xF7A  }
0x23: {  	s9 =	sor.u32 $0xD0000000, s2;
	s6 =	simm.s32 $0x108;
	_ =	swait.ge @!p0 [sflag:s8], $0x0  }
0x24: {  	s3 =	sadd.s32 $0x88, s3;
	s6 =	simm.s32 @!p1 $0x1082;
	[sflag:s4] =	ssyncset.s32 $0xFFFFF086  }
0x25: {  	[simem:s6], [sflag:s4] =	dma.local [hbm:s3], $0xF7A  }
0x26: {  	[smem:$0x3F9E] =	sst s1;
	(tag) =	ssettag s2;
	_ =	strace s9  }
0x27: {  	s1 =	sld [smem:$0x3FAE]  }
0x28: {  	s2 =	sld [smem:$0x3FAF]  }
0x29: {  	s4 =	sld [smem:$0x3FB1]  }
0x2a: {  	p0 =	seq.s32 s5, $0x0;
	s5 =	sld [smem:$0x3FB2]  }
0x2b: {  	s6 =	sld [smem:$0x3FB3]  }
0x2c: {  	s7 =	sld [smem:$0x3FB4]  }
0x2d: {  	s3 =	simm.s32 $0x108;
	s8 =	sld [smem:$0x3FB5]  }
0x2e: {  	s3 =	simm.s32 @!p0 $0x1082;
	s9 =	sld [smem:$0x3FB6]  }
0x2f: {  	lr =	sadd.s32 s0, s3;
	s0 =	sld [smem:$0x3FAD]  }
0x30: {  	s3 =	sld [smem:$0x3FB0]  }
0x31: {  	[smem:$0x3FB9] =	sst s10  }
0x32: {  	s10 =	sld [smem:$0x3FB7];
	_ =	sdelay $0x3  }
0x33: {  	p0 =	seq.s32 s10, $0x1;
	s10 =	sld [smem:$0x3FB9];
	_ =	sdelay $0x3  }
0x34: {  	[smem:$0x3FB9] =	sst s10  }
0x35: {  	s10 =	sld [smem:$0x3FB8];
	_ =	sdelay $0x3  }
0x36: {  	p1 =	seq.s32 s10, $0x1;
	s10 =	sld [smem:$0x3FB9];
	_ =	sdelay $0x3  }
0x37: {  	[smem:$0x3FB9] =	sst s10  }
0x38: {  	s10 =	sld [smem:$0x3FBA]  }
0x39: {  	_ = 	snop;
	(pc) =	sbr.ind lr, $3  }
0x3a: {  	_ = 	snop  }
0x3b: {  	_ = 	snop  }
0x3c: {  	p2 =	seq.s32 s10, $0x1;
	s10 =	sld [smem:$0x3FB9]  }
0x3d: {  	_ =	shalt  }
0x3e: {  	_ =	shalt  }
0x3f: {  	_ =	shalt  }
0x40: {  	_ =	shalt  }
0x41: {  	_ =	shalt  }
0x42: {  	_ =	shalt  }
0x43: {  	_ =	shalt  }
0x44: {  	_ =	shalt  }
0x45: {  	_ =	shalt  }
0x46: {  	_ =	shalt  }
0x47: {  	_ =	shalt  }
0x48: {  	_ =	shalt  }
0x49: {  	_ =	shalt  }
0x4a: {  	_ =	shalt  }
0x4b: {  	_ =	shalt  }
0x4c: {  	_ =	shalt  }
0x4d: {  	_ =	shalt  }
0x4e: {  	_ =	shalt  }
0x4f: {  	_ =	shalt  }
0x50: {  	_ =	shalt  }
0x51: {  	_ =	shalt  }
0x52: {  	_ =	shalt  }
0x53: {  	_ =	shalt  }
0x54: {  	_ =	shalt  }
0x55: {  	_ =	shalt  }
0x56: {  	_ =	shalt  }
0x57: {  	_ =	shalt  }
0x58: {  	_ =	shalt  }
0x59: {  	_ =	shalt  }
0x5a: {  	_ =	shalt  }
0x5b: {  	_ =	shalt  }
0x5c: {  	_ =	shalt  }
0x5d: {  	_ =	shalt  }
0x5e: {  	_ =	shalt  }
0x5f: {  	_ =	shalt  }
0x60: {  	_ =	shalt  }
0x61: {  	_ =	shalt  }
0x62: {  	_ =	shalt  }
0x63: {  	_ =	shalt  }
0x64: {  	_ =	shalt  }
0x65: {  	_ =	shalt  }
0x66: {  	_ =	shalt  }
0x67: {  	_ =	shalt  }
0x68: {  	_ =	shalt  }
0x69: {  	_ =	shalt  }
0x6a: {  	_ =	shalt  }
0x6b: {  	_ =	shalt  }
0x6c: {  	_ =	shalt  }
0x6d: {  	_ =	shalt  }
0x6e: {  	_ =	shalt  }
0x6f: {  	_ =	shalt  }
0x70: {  	_ =	shalt  }
0x71: {  	_ =	shalt  }
0x72: {  	_ =	shalt  }
0x73: {  	_ =	shalt  }
0x74: {  	_ =	shalt  }
0x75: {  	_ =	shalt  }
0x76: {  	_ =	shalt  }
0x77: {  	_ =	shalt  }
0x78: {  	_ =	shalt  }
0x79: {  	_ =	shalt  }
0x7a: {  	_ =	shalt  }
0x7b: {  	_ =	shalt  }
0x7c: {  	_ =	shalt  }
0x7d: {  	_ =	shalt  }
0x7e: {  	_ =	shalt  }
0x7f: {  	_ =	shalt  }
0x80: {  	_ =	shalt  }
0x81: {  	_ =	shalt  }
0x82: {  	_ =	shalt  }
0x83: {  	_ =	shalt  }
0x84: {  	_ =	shalt  }
0x85: {  	_ =	shalt  }
0x86: {  	_ =	shalt  }
0x87: {  	_ =	shalt  }
.Lfunc_end0:
.L_simem_size_0:
called_computation_lowered:
.L_overlay_start_0:
0x88: {  	s2 =	sld [smem:$0x3FD9]  }
0x89: {  	s3 =	sld [smem:$0x3FFE];
	_ =	sdelay $0x1  }
0x8a: {  	s1 =	srdreg.scid  }
0x8b: {  	s0 =	sand.u32 $0x1, s1  }
0x8c: {  	s16 =	sshll.u32 s0, $0xA;
	s2 =	sadd.s32 s3, s2  }
0x8d: {  	s2 =	sadd.s32 s2, s16  }
0x8e: {  	[smem:$0x3FC5] =	sst s2  }
0x8f: {  	_ = 	snop  }
0x90: {  	(tm) =	ssettm $0x1  }
0x91: {  	s17 =	sld [smem:$0x3FFB];
	_ =	sdelay $0x3  }
0x92: {  	_ =	strace s17  }
0x93: {  	s2 =	sld [smem:$0x3FFC];
	_ =	sdelay $0x3  }
0x94: {  	_ =	strace s2  }
0x95: {  	s2 =	sld [smem:$0x3FFD];
	_ =	sdelay $0x3  }
0x96: {  	_ =	strace s2  }
0x97: {  	_ =	strace $0x8FFFFFFF  }
0x98: {  	s18 =	sld [smem:$0x3FDB];
	_ =	sdelay $0x1  }
0x99: {  	s19 =	simm.s32 $_scs_section_size  }
0x9a: {  	s4 =	simm.s32 $_size__tile_overlayer_lowered;
	s5 =	simm.s32 $_tile_overlayer_lowered  }
0x9b: {  	s22 =	simm.s32 $0x1BFF;
	s21 =	sshll.u32 s5, $0x1;
	s2 =	sadd.s32 s19, s18  }
0x9c: {  	s6 =	simm.s32 $0x0;
	s20 =	sshll.u32 s4, $0x1;
	s4 =	sadd.s32 s21, s2  }
0x9d: {  	[timem:s6], [sflag:s22] =	dma.local [hbm:s4], s20  }
0x9e: {  	_ =	swait.ge [sflag:s22], s20  }
0x9f: {  	s3 =	ssub.s32 $0x0, s20;
	[sflag:s22] =	ssyncset.done $0x0  }
0xa0: {  	[sflag:s22] =	ssyncadd.s32 s3;
	_ =	sdelay $0x1  }
0xa1: {  	s23 =	simm.s32 $0x1B8B  }
0xa2: {  	_ =	swait.ge [sflag:s23], $0x1  }
0xa3: {  	[sflag:s23] =	ssyncset.done $0x0  }
0xa4: {  	s25 =	simm.s32 $0x1B8E;
	s24 =	sld [smem:$0x3FFE];
	[sflag:s23] =	ssyncadd.s32 $0xFFFFFFFF  }
0xa5: {  	s26 =	simm.s32 $execute0_lowered;
	[smem:$0x3FD2] =	sst s25  }
0xa6: {  	s4 =	sshll.u32 s26, $0x1;
	_ =	strace $0x80000046;
	[dreg:$0x1] =	wrdreg $0xFFFFFFFF  }
0xa7: {  	s28 =	simm.s32 $_size_execute0_lowered;
	s2 =	sadd.s32 s2, s4;
	[dreg:$0x0] =	wrdreg $0x0  }
0xa8: {  	s4 =	sshll.u32 s28, $0x1;
	[dreg:$0x2] =	wrdreg s2  }
0xa9: {  	[dreg:$0x3] =	wrdreg s4  }
0xaa: {  	[dreg:$0x4] =	wrdreg $0xC0  }
0xab: {  	_ =	task [dreg:s6], $0x5FFFF  }
0xac: {  	[dreg:$0x1] =	wrdreg $0xFFFFFFFF  }
0xad: {  	[dreg:$0x0] =	wrdreg $0x60  }
0xae: {  	[dreg:$0x2] =	wrdreg s24  }
0xaf: {  	[dreg:$0x3] =	wrdreg $0x50000  }
0xb0: {  	[dreg:$0x4] =	wrdreg $0x9  }
0xb1: {  	_ =	task.clear_ibuf [dreg:s6], $0x5FFFF;
	_ =	strace $0x90000046  }
0xb2: {  	s29 =	simm.s32 $0x9;
	_ =	strace $0x80000048  }
0xb3: {  	_ =	swait.ge [sflag:s29], $0x1  }
0xb4: {  	[sflag:s29] =	ssyncadd.s32 $0xFFFFFFFF  }
0xb5: {  	_ =	strace $0x90000048  }
0xb6: {  	_ =	sfence  }
0xb7: {  	s30 =	sld [smem:$0x0];
	_ =	sdelay $0x2  }
0xb8: {  	s31 =	sshll.u32 s1, $0xD;
	s1 =	sshrl.u32 s1, $0x2  }
0xb9: {  	s3 =	sand.u32 $0x4000, s31;
	s1 =	sadd.s32 s1, s30  }
0xba: {  	s0 =	sor.u32 s3, s0;
	s1 =	sshll.u32 s1, $0x11  }
0xbb: {  	s0 =	sor.u32 s1, s0  }
0xbc: {  	s0 =	sadd.s32 $0x8F2B, s0  }
0xbd: {  	[sflag:s0] =	ssyncadd.remote.s32 $0x1  }
0xbe: {  	_ =	sfence.sel $0xFFFF  }
0xbf: {  	[dreg:$0x0] =	wrdreg $0xFFFFFFFF;
	(pc) =	sbr.abs _section_cstart, $3  }
0xc0: {  	[dreg:$0x1] =	wrdreg $0xFFFFFFFF  }
0xc1: {  	_ =	task.clear_ibuf [dreg:s6], $0x2FFFF;
	_ =	strace $0x9FFFFFFF  }
0xc2: {  	(tm) =	ssettm $0x7FFFFFFF  }
0xc3: {  	_ =	shalt  }
tec
execute0_lowered:
.L_overlay_start_1:
0x0: {  	(tag) =	ssettag $0x1  }
0x1: {  	s0 =	srdreg.scid;
	s14 =	rddreg [dreg:$0x0]  }
0x2: {  	s2 =	rddreg [dreg:$0x1];
	s3 =	simm.s32 $0x0;
	s13 =	sand.u32 $0x1, s0  }
0x3: {  	s0 =	stileid.u32;
	[smem:$0x7FF] =	sst s3;
	s1 =	sshll.u32 s13, $0x4  }
0x4: {  	s5 =	sshll.u32 s0, $0x7;
	s6 =	smul.u32 $0x280, s0;
	s1 =	sor.u32 s0, s1  }
0x5: {  	s29 =	sshll.u32 s0, $0x6;
	s5 =	sand.u32 $0x380, s5;
	s1 =	sshrl.u32 s1, $0x3  }
0x6: {  	s26 =	sshrl.u32 s6, $0x3;
	s6 =	sadd.s32 s6, s2;
	s4 =	smul.u32 $0x14000, s1  }
0x7: {  	s1 =	rddreg [dreg:$0x2];
	_ =	strace $0x80000047;
	s28 =	sadd.s32 s26, s14  }
0x8: {  	s7 =	sshrl.u32 s6, $0x3;
	s6 =	simm.s32 $0x1;
	s4 =	sor.u32 s5, s4  }
0x9: {  	s5 =	sor.u32 $0x1C01, s29;
	s8 =	sshrl.u32 s4, $0x3;
	s4 =	sadd.s32 $0xAC00, s28  }
0xa: {  	[spmem:s7], [sflag:s5] =	dma.local [hbm:s4], $0x50  }
0xb: {  	_ =	swait.ge [sflag:s6], $0x50  }
0xc: {  	s9 =	simm.s32 $0x80;
	s8 =	sadd.s32 s8, s14;
	[sflag:s6] =	ssyncset.done $0x0  }
0xd: {  	s10 =	simm.s32 $0x400;
	s8 =	sadd.s32 $0xC00, s8;
	[sflag:s6] =	ssyncadd.s32 $0xFFFFFFB0  }
0xe: {  	[tilespmem:s3], [sflag:$0x1] =	stream.strided.gather [hbm4b:s8+s9], $0x2800, s10, s9, $0x38;
	[tilespmem:$0x5280] =	vst v63  }
0xf: {  	_ =	swait.ge [sflag:s6], $0x2800  }
0x10: {  	[sflag:s6] =	ssyncset.done $0x0  }
0x11: {  	s12 =	simm.s32 $0x2800;
	s11 =	sadd.s32 $0xB200, s14;
	[sflag:s6] =	ssyncadd.s32 $0xFFFFD800  }
0x12: {  	[tilespmem:s12], [sflag:$0x1] =	stream.linear.gather [hbm4b:s11+s3], $0x2800, $0x38;
	[tilespmem:$0x5280] =	vst v63  }
0x13: {  	s15 =	smul.u32 $0x500, s0;
	_ =	swait.ge [sflag:s6], $0x2800  }
0x14: {  	s16 =	sshll.u32 s13, $0x7;
	s13 =	ssub.s32 $0x2, s13;
	[sflag:s6] =	ssyncset.done $0x0  }
0x15: {  	s30 =	sshrl.u32 s13, $0x1;
	[sflag:s6] =	ssyncadd.s32 $0xFFFFD800  }
0x16: {  	s15 =	sor.u32 s16, s15;
	s31 =	ssub.s32 s13, s30;
	[bflag:$0x0] =	sbarrier.arrive $0xFFFF  }
0x17: {  	[spmem:s2] =	stream.indirect.scatter.add.f32 [tilespmem:s12], [sflag:$0x1], $0x1, s3, s12, $0xb8;
	[tilespmem:$0x5280] =	vst v63  }
0x18: {  	s15 =	sshrl.u32 s15, $0x3;
	s16 =	smax.u32 s31, $0x1;
	_ =	swait.ge [sflag:s6], $0x2800  }
0x19: {  	p0 =	sne.s32 s16, $0x1;
	s14 =	sadd.s32 s15, s14;
	[sflag:s6] =	ssyncset.done $0x0  }
.Ltmp0:
0x1a: {  	s15 =	simm.s32 $0x10;
	[sflag:s6] =	ssyncadd.s32 $0xFFFFD800;
	(pc) =	sbr.rel @!p0 .LBB2_2-.Ltmp0, $4  }
0x1b: {  	s13 =	sadd.s32 $0xB800, s14;
	s14 =	simm.s32 $0x20;
	[bflag:$0x0] =	sbarrier.arrive $0xFFFF  }
0x1c: {  	[hbm:s13@s14], [sflag:s5] =	dma.strided [spmem:s7@s15], $0x50, s6, $0x10   }
0x1d: {  	_ =	swait.ge [sflag:s6], $0x50  }
0x1e: {  	s16 =	sadd.s32 $0xFFFFFFFF, s16;
	[sflag:s6] =	ssyncset.done $0x0  }
.LBB2_1:
0x1f: {  	p0 =	sne.s32 s16, $0x1;
	s16 =	sadd.s32 $0xFFFFFFFF, s16;
	[sflag:s6] =	ssyncadd.s32 $0xFFFFFFB0  }
0x20: {  	[spmem:s7], [sflag:s5] =	dma.local [hbm:s4], $0x50  }
0x21: {  	_ =	swait.ge [sflag:s6], $0x50  }
0x22: {  	[sflag:s6] =	ssyncset.done $0x0  }
0x23: {  	[sflag:s6] =	ssyncadd.s32 $0xFFFFFFB0  }
0x24: {  	[tilespmem:s3], [sflag:$0x1] =	stream.strided.gather [hbm4b:s8+s9], $0x2800, s10, s9, $0x38;
	[tilespmem:$0x5280] =	vst v63  }
0x25: {  	_ =	swait.ge [sflag:s6], $0x2800  }
0x26: {  	[sflag:s6] =	ssyncset.done $0x0  }
0x27: {  	[sflag:s6] =	ssyncadd.s32 $0xFFFFD800  }
0x28: {  	[tilespmem:s12], [sflag:$0x1] =	stream.linear.gather [hbm4b:s11+s3], $0x2800, $0x38;
	[tilespmem:$0x5280] =	vst v63  }
0x29: {  	_ =	swait.ge [sflag:s6], $0x2800  }
0x2a: {  	[sflag:s6] =	ssyncset.done $0x0  }
0x2b: {  	[sflag:s6] =	ssyncadd.s32 $0xFFFFD800  }
0x2c: {  	[bflag:$0x0] =	sbarrier.arrive $0xFFFF  }
0x2d: {  	[spmem:s2] =	stream.indirect.scatter.add.f32 [tilespmem:s12], [sflag:$0x1], $0x1, s3, s12, $0xb8;
	[tilespmem:$0x5280] =	vst v63  }
0x2e: {  	_ =	swait.ge [sflag:s6], $0x2800  }
0x2f: {  	[sflag:s6] =	ssyncset.done $0x0  }
.Ltmp1:
0x30: {  	[sflag:s6] =	ssyncadd.s32 $0xFFFFD800;
	(pc) =	sbr.rel @p0 .LBB2_1-.Ltmp1, $4  }
0x31: {  	[bflag:$0x0] =	sbarrier.arrive $0xFFFF  }
0x32: {  	[hbm:s13@s14], [sflag:s5] =	dma.strided [spmem:s7@s15], $0x50, s6, $0x10   }
0x33: {  	_ =	swait.ge [sflag:s6], $0x50  }
0x34: {  	[sflag:s6] =	ssyncset.done $0x0  }
.LBB2_2:
0x35: {  	[sflag:s6] =	ssyncadd.s32 $0xFFFFFFB0  }
0x36: {  	_ =	sfence.sel $0x180000  }
0x37: {  	[bflag:$0x0] =	sbarrier.arrive $0xFFFF  }
0x38: {  	p0 =	sne.s32 s0, $0x0;
	_ =	strace $0x90000047  }
0x39: {  	s0 =	sadd.s32 @!p0 $0x100000, s1;
	[bflag:$0x2] =	sbarrier.arrive $0xFFFF  }
0x3a: {  	[sflag:s0] =	ssyncadd.tile.s32 @!p0 $0x1;
	_ =	shalt  }
.Lfunc_end2:
_tile_overlayer_lowered:
.L_overlay_start_2:
0x3b: {  	(tag) =	ssettag $0x2  }
0x3c: {  	s0 =	rddreg [dreg:$0x0];
	s2 =	stileid.u32  }
0x3d: {  	s1 =	rddreg [dreg:$0x1];
	p0 =	sne.s32 s2, $0x0  }
0x3e: {  	s3 =	rddreg [dreg:$0x2];
	[bflag:$0x3] =	sbarrier.arrive $0xFFFF;
	s2 =	simm.s32 @!p0 $0x1C01  }
0x3f: {  	[timem:s3], [sflag:s2] =	dma.local @!p0 [hbm:s0], s1  }
0x40: {  	s0 =	simm.s32 @!p0 $0x1  }
0x41: {  	_ =	swait.ge @!p0 [sflag:s0], s1  }
0x42: {  	s1 =	ssub.s32 @!p0 $0x0, s1;
	[sflag:s0] =	ssyncset.done @!p0 $0x0  }
0x43: {  	[sflag:s0] =	ssyncadd.s32 @!p0 s1  }
0x44: {  	[bflag:$0x3] =	sbarrier.arrive $0xFFFF  }
0x45: {  	_ =	shalt  }

// kernel: kernel.9.cloned.1.call-start
scs
__scs_entry_jumppad:
0x0: {  	(pc) =	sbr.rel $0x88, $3  }
0x1: {  	(tag) =	ssettag $0x0;
	lr =	simm.s32 $0x1  }
0x2: {  	[smem:$0x3F9E] =	sst lr;
	_ =	strace $0xD0000000  }
0x3: {  	_ = 	snop  }
0x4: {  	_ = 	snop  }
0x5: {  	_ = 	snop  }
0x6: {  	_ = 	snop  }
0x7: {  	_ = 	snop  }
__scs_overlays_trampoline_lowered:
0x8: {  	[smem:$0x3FAD] =	sst s0  }
0x9: {  	[smem:$0x3FAE] =	sst s1  }
0xa: {  	[smem:$0x3FAF] =	sst s2  }
0xb: {  	[smem:$0x3FB0] =	sst s3  }
0xc: {  	[smem:$0x3FB1] =	sst s4  }
0xd: {  	[smem:$0x3FB2] =	sst s5  }
0xe: {  	[smem:$0x3FB3] =	sst s6  }
0xf: {  	[smem:$0x3FB4] =	sst s7  }
0x10: {  	[smem:$0x3FB5] =	sst s8  }
0x11: {  	[smem:$0x3FB6] =	sst s9;
	s0 =	simm.s32 @!p0 $0x0  }
0x12: {  	s1 =	sld [smem:$0x3F9C];
	s0 =	simm.s32 @p0 $0x1  }
0x13: {  	[smem:$0x3FB7] =	sst s0;
	s0 =	simm.s32 @!p1 $0x0  }
0x14: {  	s2 =	sld [smem:$0x3F9B];
	s0 =	simm.s32 @p1 $0x1  }
0x15: {  	[smem:$0x3FB8] =	sst s0;
	s0 =	simm.s32 @!p2 $0x0  }
0x16: {  	s3 =	sld [smem:$0x3FDB];
	s0 =	simm.s32 @p2 $0x1  }
0x17: {  	s4 =	simm.s32 $0x1BF5;
	[smem:$0x3FBA] =	sst s0  }
0x18: {  	s0 =	sld [smem:$0x3F9D];
	_ =	swait.ge [sflag:s4], $0x0  }
0x19: {  	s7 =	sld [smem:$0x3F9E]  }
0x1a: {  	s8 =	sadd.s32 $0xFFFFE003, lr  }
0x1b: {  	s9 =	sadd.s32 $0xFFFFFEF7, lr;
	s5 =	simm.s32 $0xFFFFFFFF;
	p2 =	slt.u32 s8, $0xFFFFF086  }
0x1c: {  	p1 =	slt.u32 s9, $0xF7A;
	s5 =	simm.s32 @!p2 $0x0  }
0x1d: {  	s5 =	simm.s32 @p1 $0x1;
	p0 =	seq.s32 s7, s2  }
0x1e: {  	s7 =	smul.u32 @!p0 $0xF7A, s2;
	p2 =	seq.s32 @!p0 s5, $0x0  }
0x1f: {  	s9 =	smul.u32 $0xF7A, s1;
	s8 =	simm.s32 @!p0 $0x1BF5;
	p2 =	por !p2, p0  }
0x20: {  	[sflag:s8] =	ssyncset.s32 @!p0 $0xFFFFF086;
	s6 =	sadd.s32 @!p0 s3, s7;
	s7 =	simm.s32 @!p0 $0x108  }
0x21: {  	s3 =	sadd.s32 s3, s9;
	s6 =	sadd.s32 @!p0 $0x88, s6;
	s7 =	simm.s32 @p2 $0x1082  }
0x22: {  	[simem:s7], [sflag:s8] =	dma.local @!p0 [hbm:s6], $0xF7A  }
0x23: {  	s9 =	sor.u32 $0xD0000000, s2;
	s6 =	simm.s32 $0x108;
	_ =	swait.ge @!p0 [sflag:s8], $0x0  }
0x24: {  	s3 =	sadd.s32 $0x88, s3;
	s6 =	simm.s32 @!p1 $0x1082;
	[sflag:s4] =	ssyncset.s32 $0xFFFFF086  }
0x25: {  	[simem:s6], [sflag:s4] =	dma.local [hbm:s3], $0xF7A  }
0x26: {  	[smem:$0x3F9E] =	sst s1;
	(tag) =	ssettag s2;
	_ =	strace s9  }
0x27: {  	s1 =	sld [smem:$0x3FAE]  }
0x28: {  	s2 =	sld [smem:$0x3FAF]  }
0x29: {  	s4 =	sld [smem:$0x3FB1]  }
0x2a: {  	p0 =	seq.s32 s5, $0x0;
	s5 =	sld [smem:$0x3FB2]  }
0x2b: {  	s6 =	sld [smem:$0x3FB3]  }
0x2c: {  	s7 =	sld [smem:$0x3FB4]  }
0x2d: {  	s3 =	simm.s32 $0x108;
	s8 =	sld [smem:$0x3FB5]  }
0x2e: {  	s3 =	simm.s32 @!p0 $0x1082;
	s9 =	sld [smem:$0x3FB6]  }
0x2f: {  	lr =	sadd.s32 s0, s3;
	s0 =	sld [smem:$0x3FAD]  }
0x30: {  	s3 =	sld [smem:$0x3FB0]  }
0x31: {  	[smem:$0x3FB9] =	sst s10  }
0x32: {  	s10 =	sld [smem:$0x3FB7];
	_ =	sdelay $0x3  }
0x33: {  	p0 =	seq.s32 s10, $0x1;
	s10 =	sld [smem:$0x3FB9];
	_ =	sdelay $0x3  }
0x34: {  	[smem:$0x3FB9] =	sst s10  }
0x35: {  	s10 =	sld [smem:$0x3FB8];
	_ =	sdelay $0x3  }
0x36: {  	p1 =	seq.s32 s10, $0x1;
	s10 =	sld [smem:$0x3FB9];
	_ =	sdelay $0x3  }
0x37: {  	[smem:$0x3FB9] =	sst s10  }
0x38: {  	s10 =	sld [smem:$0x3FBA]  }
0x39: {  	_ = 	snop;
	(pc) =	sbr.ind lr, $3  }
0x3a: {  	_ = 	snop  }
0x3b: {  	_ = 	snop  }
0x3c: {  	p2 =	seq.s32 s10, $0x1;
	s10 =	sld [smem:$0x3FB9]  }
0x3d: {  	_ =	shalt  }
0x3e: {  	_ =	shalt  }
0x3f: {  	_ =	shalt  }
0x40: {  	_ =	shalt  }
0x41: {  	_ =	shalt  }
0x42: {  	_ =	shalt  }
0x43: {  	_ =	shalt  }
0x44: {  	_ =	shalt  }
0x45: {  	_ =	shalt  }
0x46: {  	_ =	shalt  }
0x47: {  	_ =	shalt  }
0x48: {  	_ =	shalt  }
0x49: {  	_ =	shalt  }
0x4a: {  	_ =	shalt  }
0x4b: {  	_ =	shalt  }
0x4c: {  	_ =	shalt  }
0x4d: {  	_ =	shalt  }
0x4e: {  	_ =	shalt  }
0x4f: {  	_ =	shalt  }
0x50: {  	_ =	shalt  }
0x51: {  	_ =	shalt  }
0x52: {  	_ =	shalt  }
0x53: {  	_ =	shalt  }
0x54: {  	_ =	shalt  }
0x55: {  	_ =	shalt  }
0x56: {  	_ =	shalt  }
0x57: {  	_ =	shalt  }
0x58: {  	_ =	shalt  }
0x59: {  	_ =	shalt  }
0x5a: {  	_ =	shalt  }
0x5b: {  	_ =	shalt  }
0x5c: {  	_ =	shalt  }
0x5d: {  	_ =	shalt  }
0x5e: {  	_ =	shalt  }
0x5f: {  	_ =	shalt  }
0x60: {  	_ =	shalt  }
0x61: {  	_ =	shalt  }
0x62: {  	_ =	shalt  }
0x63: {  	_ =	shalt  }
0x64: {  	_ =	shalt  }
0x65: {  	_ =	shalt  }
0x66: {  	_ =	shalt  }
0x67: {  	_ =	shalt  }
0x68: {  	_ =	shalt  }
0x69: {  	_ =	shalt  }
0x6a: {  	_ =	shalt  }
0x6b: {  	_ =	shalt  }
0x6c: {  	_ =	shalt  }
0x6d: {  	_ =	shalt  }
0x6e: {  	_ =	shalt  }
0x6f: {  	_ =	shalt  }
0x70: {  	_ =	shalt  }
0x71: {  	_ =	shalt  }
0x72: {  	_ =	shalt  }
0x73: {  	_ =	shalt  }
0x74: {  	_ =	shalt  }
0x75: {  	_ =	shalt  }
0x76: {  	_ =	shalt  }
0x77: {  	_ =	shalt  }
0x78: {  	_ =	shalt  }
0x79: {  	_ =	shalt  }
0x7a: {  	_ =	shalt  }
0x7b: {  	_ =	shalt  }
0x7c: {  	_ =	shalt  }
0x7d: {  	_ =	shalt  }
0x7e: {  	_ =	shalt  }
0x7f: {  	_ =	shalt  }
0x80: {  	_ =	shalt  }
0x81: {  	_ =	shalt  }
0x82: {  	_ =	shalt  }
0x83: {  	_ =	shalt  }
0x84: {  	_ =	shalt  }
0x85: {  	_ =	shalt  }
0x86: {  	_ =	shalt  }
0x87: {  	_ =	shalt  }
.Lfunc_end0:
.L_simem_size_0:
called_computation.1_lowered:
.L_overlay_start_0:
0x88: {  	s2 =	sld [smem:$0x3FD9]  }
0x89: {  	s3 =	sld [smem:$0x3FFE];
	_ =	sdelay $0x1  }
0x8a: {  	s1 =	srdreg.scid  }
0x8b: {  	s0 =	sand.u32 $0x1, s1  }
0x8c: {  	s17 =	sshll.u32 s0, $0xA;
	s2 =	sadd.s32 s3, s2  }
0x8d: {  	s2 =	sadd.s32 s2, s17  }
0x8e: {  	[smem:$0x3FC5] =	sst s2  }
0x8f: {  	_ = 	snop  }
0x90: {  	s2 =	sld [smem:$0x3FD0];
	(tm) =	ssettm $0x1  }
0x91: {  	s18 =	sld [smem:$0x3FFB];
	_ =	sdelay $0x3  }
0x92: {  	_ =	strace s18  }
0x93: {  	s3 =	sld [smem:$0x3FFC];
	_ =	sdelay $0x3  }
0x94: {  	_ =	strace s3  }
0x95: {  	s3 =	sld [smem:$0x3FFD];
	_ =	sdelay $0x3  }
0x96: {  	_ =	strace s3  }
0x97: {  	_ =	strace $0x8FFFFFFF  }
0x98: {  	s19 =	sld [smem:$0x3FDB];
	_ =	sdelay $0x1  }
0x99: {  	s4 =	simm.s32 $_scs_section_size  }
0x9a: {  	s5 =	simm.s32 $_size__tile_overlayer_lowered;
	s6 =	simm.s32 $_tile_overlayer_lowered  }
0x9b: {  	s22 =	simm.s32 $0x1BFF;
	s21 =	sshll.u32 s6, $0x1;
	s3 =	sadd.s32 s4, s19  }
0x9c: {  	s7 =	simm.s32 $0x0;
	s20 =	sshll.u32 s5, $0x1;
	s5 =	sadd.s32 s21, s3  }
0x9d: {  	[timem:s7], [sflag:s22] =	dma.local [hbm:s5], s20  }
0x9e: {  	_ =	swait.ge [sflag:s22], s20  }
0x9f: {  	s4 =	ssub.s32 $0x0, s20;
	[sflag:s22] =	ssyncset.done $0x0  }
0xa0: {  	[sflag:s22] =	ssyncadd.s32 s4;
	_ =	sdelay $0x1  }
0xa1: {  	s23 =	simm.s32 $0x1B8B  }
0xa2: {  	_ =	swait.ge [sflag:s23], $0x1  }
0xa3: {  	[sflag:s23] =	ssyncset.done $0x0  }
0xa4: {  	s25 =	simm.s32 $0x1B8E;
	s24 =	sld [smem:$0x3FFE];
	[sflag:s23] =	ssyncadd.s32 $0xFFFFFFFF  }
0xa5: {  	s26 =	simm.s32 $execute0_lowered;
	[smem:$0x3FD2] =	sst s25  }
0xa6: {  	s5 =	sshll.u32 s26, $0x1;
	_ =	strace $0x80000049;
	[dreg:$0x1] =	wrdreg $0xFFFFFFFF  }
0xa7: {  	s28 =	simm.s32 $_size_execute0_lowered;
	s3 =	sadd.s32 s3, s5;
	[dreg:$0x0] =	wrdreg $0x0  }
0xa8: {  	s5 =	sshll.u32 s28, $0x1;
	[dreg:$0x2] =	wrdreg s3  }
0xa9: {  	[dreg:$0x3] =	wrdreg s5  }
0xaa: {  	[dreg:$0x4] =	wrdreg $0xC0  }
0xab: {  	_ =	task [dreg:s7], $0x5FFFF  }
0xac: {  	[dreg:$0x1] =	wrdreg $0xFFFFFFFF  }
0xad: {  	[dreg:$0x0] =	wrdreg $0x60  }
0xae: {  	[dreg:$0x2] =	wrdreg s2  }
0xaf: {  	[dreg:$0x3] =	wrdreg s24  }
0xb0: {  	[dreg:$0x4] =	wrdreg $0xA4000  }
0xb1: {  	[dreg:$0x5] =	wrdreg $0x9  }
0xb2: {  	_ =	task.clear_ibuf [dreg:s7], $0x6FFFF;
	_ =	strace $0x90000049  }
0xb3: {  	s29 =	simm.s32 $0x9;
	_ =	strace $0x8000004B  }
0xb4: {  	_ =	swait.ge [sflag:s29], $0x1  }
0xb5: {  	[sflag:s29] =	ssyncadd.s32 $0xFFFFFFFF  }
0xb6: {  	_ =	strace $0x9000004B  }
0xb7: {  	_ =	sfence  }
0xb8: {  	s30 =	sld [smem:$0x0];
	_ =	sdelay $0x2  }
0xb9: {  	s31 =	sshll.u32 s1, $0xD;
	s1 =	sshrl.u32 s1, $0x2  }
0xba: {  	s3 =	sand.u32 $0x4000, s31;
	s1 =	sadd.s32 s1, s30  }
0xbb: {  	s0 =	sor.u32 s3, s0;
	s1 =	sshll.u32 s1, $0x11  }
0xbc: {  	s0 =	sor.u32 s1, s0  }
0xbd: {  	s0 =	sadd.s32 $0x8F2B, s0  }
0xbe: {  	[sflag:s0] =	ssyncadd.remote.s32 $0x1  }
0xbf: {  	_ =	sfence.sel $0xFFFF  }
0xc0: {  	[dreg:$0x0] =	wrdreg $0xFFFFFFFF;
	(pc) =	sbr.abs _section_cstart, $3  }
0xc1: {  	[dreg:$0x1] =	wrdreg $0xFFFFFFFF  }
0xc2: {  	_ =	task.clear_ibuf [dreg:s7], $0x2FFFF;
	_ =	strace $0x9FFFFFFF  }
0xc3: {  	(tm) =	ssettm $0x7FFFFFFF  }
tec
execute0_lowered:
.L_overlay_start_1:
0x0: {  	(tag) =	ssettag $0x1  }
0x1: {  	s2 =	rddreg [dreg:$0x0]  }
0x2: {  	s7 =	rddreg [dreg:$0x1]  }
0x3: {  	s3 =	rddreg [dreg:$0x2]  }
0x4: {  	s0 =	rddreg [dreg:$0x3];
	s1 =	stileid.u32  }
0x5: {  	s5 =	srdreg.scid;
	s4 =	simm.s32 $0x0;
	s15 =	simm.s32 $0x400  }
0x6: {  	s16 =	simm.s32 $0x100;
	s17 =	simm.s32 $0xA0;
	s18 =	simm.s32 $0x200  }
0x7: {  	s19 =	simm.s32 $0x300;
	s20 =	simm.s32 $0x5400;
	s21 =	simm.s32 $0x1  }
0x8: {  	s22 =	simm.s32 $0x2;
	s23 =	simm.s32 $0x0;
	s8 =	smul.u32 $0x14000, s1  }
0x9: {  	s9 =	sand.u32 $0x1, s5;
	[smem:$0x7FF] =	sst s4;
	s5 =	sadd.s32 $0xC200, s7  }
0xa: {  	s6 =	sadd.s32 $0x1C200, s7;
	s13 =	smul.u32 $0x50000, s1;
	s29 =	sshll.u32 s1, $0xE  }
0xb: {  	s30 =	sshll.u32 s1, $0x6;
	s10 =	smul.u32 $0x140000, s9;
	_ =	strace $0x8000004A  }
0xc: {  	s25 =	ssub.s32 $0x2, s9;
	s28 =	sshll.u32 s9, $0x12;
	s9 =	sor.u32 $0x1C03, s30  }
0xd: {  	s11 =	sshrl.u32 s8, $0x3;
	s12 =	sshrl.u32 s25, $0x1;
	s8 =	sadd.s32 s8, s10  }
0xe: {  	s26 =	sshrl.u32 s13, $0x2;
	s11 =	sadd.s32 s11, s7;
	s8 =	sshrl.u32 s8, $0x3  }
0xf: {  	s12 =	ssub.s32 s25, s12;
	s13 =	sadd.s32 s26, s3;
	s14 =	sadd.s32 s8, s7  }
0x10: {  	s7 =	sor.u32 s29, s28;
	s8 =	sadd.s32 $0x44200, s11;
	s11 =	smax.u32 s12, $0x1  }
0x11: {  	s12 =	sshrl.u32 s13, $0x3;
	s13 =	simm.s32 $0x3;
	s31 =	sor.u32 $0x80, s7  }
0x12: {  	s10 =	sadd.s32 $0x6C200, s14;
	s14 =	simm.s32 $0x80;
	[dreg:$0x4] =	wrdreg s31  }
.LBB2_1:
0x13: {  	[spmem:s12], [sflag:s9] =	dma.local [hbm:s8], $0x2800  }
0x14: {  	s24 =	sand.u32 $0x300, s4;
	s25 =	sand.u32 $0x3800, s4  }
0x15: {  	_ =	swait.ge [sflag:s13], $0x2800;
	s26 =	sor.u32 s24, s25  }
0x16: {  	[sflag:s13] =	ssyncset.done $0x0;
	s26 =	sor.u32 s7, s26  }
0x17: {  	[sflag:s13] =	ssyncadd.s32 $0xFFFFD800;
	s26 =	sshrl.u32 s26, $0x3  }
0x18: {  	[bflag:$0x0] =	sbarrier.arrive $0xFFFF;
	s28 =	sadd.s32 s2, s26  }
0x19: {  	[tilespmem:s4], [sflag:$0x3] =	stream.strided.gather [hbm4b:s28+s14], $0x100, s15, s14, $0x38;
	[tilespmem:$0x1E400] =	vst v63  }
0x1a: {  	_ =	swait.ge [sflag:s13], $0x100  }
0x1b: {  	[sflag:s13] =	ssyncset.done $0x0  }
0x1c: {  	s26 =	sadd.s32 s5, s26;
	[sflag:s13] =	ssyncadd.s32 $0xFFFFFF00  }
0x1d: {  	[tilespmem:s16], [sflag:$0x3] =	stream.strided.gather [hbm4b:s26+s14], $0x100, s15, s14, $0x38;
	[tilespmem:$0x1E400] =	vst v63  }
0x1e: {  	_ =	swait.ge [sflag:s13], $0x100  }
0x1f: {  	[sflag:s13] =	ssyncset.done $0x0;
	s31 =	rddreg [dreg:$0x4]  }
0x20: {  	[sflag:s13] =	ssyncadd.s32 $0xFFFFFF00;
	s24 =	sor.u32 s31, s24  }
0x21: {  	[tilespmem:s15], [sflag:$0x1] =	stream.indirect.gather [hbm4b:s6+s17], $0x80, s4, s17, $0xb8;
	[tilespmem:$0x1E400] =	vst v63  }
0x22: {  	s24 =	sor.u32 s25, s24  }
0x23: {  	s24 =	sshrl.u32 s24, $0x3  }
0x24: {  	s26 =	sadd.s32 s2, s24  }
0x25: {  	[tilespmem:s18], [sflag:$0x3] =	stream.strided.gather [hbm4b:s26+s14], $0x100, s15, s14, $0x38;
	[tilespmem:$0x1E400] =	vst v63  }
0x26: {  	_ =	swait.ge [sflag:s13], $0x100  }
0x27: {  	[sflag:s13] =	ssyncset.done $0x0  }
0x28: {  	s24 =	sadd.s32 s5, s24;
	[sflag:s13] =	ssyncadd.s32 $0xFFFFFF00  }
0x29: {  	[tilespmem:s19], [sflag:$0x3] =	stream.strided.gather [hbm4b:s24+s14], $0x100, s15, s14, $0x38;
	[tilespmem:$0x1E400] =	vst v63  }
0x2a: {  	_ =	swait.ge [sflag:s13], $0x100  }
0x2b: {  	[sflag:s13] =	ssyncset.done $0x0  }
0x2c: {  	[sflag:s13] =	ssyncadd.s32 $0xFFFFFF00  }
0x2d: {  	[tilespmem:s20], [sflag:$0x2] =	stream.indirect.gather [hbm4b:s6+s17], $0x80, s18, s17, $0xb8;
	[tilespmem:$0x1E400] =	vst v63  }
0x2e: {  	_ =	swait.ge [sflag:s21], $0x5000  }
0x2f: {  	[sflag:s21] =	ssyncset.done $0x0  }
0x30: {  	[sflag:s21] =	ssyncadd.s32 $0xFFFFB000  }
0x31: {  	[spmem:s3] =	stream.indirect.scatter.add.f32 [tilespmem:s15], [sflag:$0x3], $0x80, s16, s17, $0xb8;
	[tilespmem:$0x1E400] =	vst v63  }
0x32: {  	_ =	swait.ge [sflag:s13], $0x5000  }
0x33: {  	s31 =	simm.s32 $0x100;
	s24 =	simm.s32 $0x200;
	[sflag:s13] =	ssyncset.done $0x0  }
0x34: {  	s29 =	sand.u32 $0x300, s31;
	s28 =	sand.u32 $0x3800, s24;
	[sflag:s13] =	ssyncadd.s32 $0xFFFFB000  }
0x35: {  	s25 =	sor.u32 s29, s28;
	_ =	swait.ge [sflag:s22], $0x5000  }
0x36: {  	s30 =	simm.s32 $0x200;
	s26 =	sor.u32 s7, s25;
	[sflag:s22] =	ssyncset.done $0x0  }
.LBB2_2:
0x37: {  	[sflag:s22] =	ssyncadd.s32 $0xFFFFB000  }
0x38: {  	[spmem:s3] =	stream.indirect.scatter.add.f32 [tilespmem:s20], [sflag:$0x3], $0x80, s19, s17, $0xb8;
	[tilespmem:$0x1E400] =	vst v63  }
0x39: {  	s31 =	sshrl.u32 s26, $0x3;
	_ =	swait.ge [sflag:s13], $0x5000  }
0x3a: {  	s26 =	smov.u32 s30;
	s25 =	sadd.s32 $0x100, s30;
	[sflag:s13] =	ssyncset.done $0x0  }
0x3b: {  	p0 =	sne.s32 s30, $0x1F00;
	s30 =	sadd.s32 s2, s31;
	[sflag:s13] =	ssyncadd.s32 $0xFFFFB000  }
0x3c: {  	[tilespmem:s4], [sflag:$0x3] =	stream.strided.gather [hbm4b:s30+s14], $0x100, s15, s14, $0x38;
	[tilespmem:$0x1E400] =	vst v63  }
0x3d: {  	_ =	swait.ge [sflag:s13], $0x100  }
0x3e: {  	[sflag:s13] =	ssyncset.done $0x0  }
0x3f: {  	s30 =	sadd.s32 s5, s31;
	[sflag:s13] =	ssyncadd.s32 $0xFFFFFF00  }
0x40: {  	[tilespmem:s16], [sflag:$0x3] =	stream.strided.gather [hbm4b:s30+s14], $0x100, s15, s14, $0x38;
	[tilespmem:$0x1E400] =	vst v63  }
0x41: {  	_ =	swait.ge [sflag:s13], $0x100  }
0x42: {  	[sflag:s13] =	ssyncset.done $0x0;
	s30 =	rddreg [dreg:$0x4]  }
0x43: {  	[sflag:s13] =	ssyncadd.s32 $0xFFFFFF00;
	s29 =	sor.u32 s30, s29  }
0x44: {  	[tilespmem:s15], [sflag:$0x1] =	stream.indirect.gather [hbm4b:s6+s17], $0x80, s4, s17, $0xb8;
	[tilespmem:$0x1E400] =	vst v63  }
0x45: {  	s28 =	sor.u32 s28, s29  }
0x46: {  	s28 =	sshrl.u32 s28, $0x3  }
0x47: {  	s29 =	sadd.s32 s2, s28  }
0x48: {  	[tilespmem:s18], [sflag:$0x3] =	stream.strided.gather [hbm4b:s29+s14], $0x100, s15, s14, $0x38;
	[tilespmem:$0x1E400] =	vst v63  }
0x49: {  	_ =	swait.ge [sflag:s13], $0x100  }
0x4a: {  	[sflag:s13] =	ssyncset.done $0x0  }
0x4b: {  	s28 =	sadd.s32 s5, s28;
	[sflag:s13] =	ssyncadd.s32 $0xFFFFFF00  }
0x4c: {  	[tilespmem:s19], [sflag:$0x3] =	stream.strided.gather [hbm4b:s28+s14], $0x100, s15, s14, $0x38;
	[tilespmem:$0x1E400] =	vst v63  }
0x4d: {  	_ =	swait.ge [sflag:s13], $0x100  }
0x4e: {  	[sflag:s13] =	ssyncset.done $0x0  }
0x4f: {  	[sflag:s13] =	ssyncadd.s32 $0xFFFFFF00  }
0x50: {  	[tilespmem:s20], [sflag:$0x2] =	stream.indirect.gather [hbm4b:s6+s17], $0x80, s18, s17, $0xb8;
	[tilespmem:$0x1E400] =	vst v63  }
0x51: {  	_ =	swait.ge [sflag:s21], $0x5000  }
0x52: {  	[sflag:s21] =	ssyncset.done $0x0  }
0x53: {  	[sflag:s21] =	ssyncadd.s32 $0xFFFFB000  }
0x54: {  	[spmem:s3] =	stream.indirect.scatter.add.f32 [tilespmem:s15], [sflag:$0x3], $0x80, s16, s17, $0xb8;
	[tilespmem:$0x1E400] =	vst v63  }
.Ltmp0:
0x55: {  	_ =	swait.ge [sflag:s13], $0x5000;
	(pc) =	sbr.rel @p0 .LBB2_2-.Ltmp0, $4  }
0x56: {  	s24 =	sadd.s32 $0x200, s24;
	[sflag:s13] =	ssyncset.done $0x0  }
0x57: {  	s29 =	sand.u32 $0x300, s26;
	s28 =	sand.u32 $0x3800, s24;
	[sflag:s13] =	ssyncadd.s32 $0xFFFFB000  }
0x58: {  	s26 =	sor.u32 s29, s28;
	_ =	swait.ge [sflag:s22], $0x5000  }
0x59: {  	s30 =	smov.u32 s25;
	s26 =	sor.u32 s7, s26;
	[sflag:s22] =	ssyncset.done $0x0  }
0x5a: {  	[sflag:s22] =	ssyncadd.s32 $0xFFFFB000  }
0x5b: {  	[spmem:s3] =	stream.indirect.scatter.add.f32 [tilespmem:s20], [sflag:$0x3], $0x80, s19, s17, $0xb8;
	[tilespmem:$0x1E400] =	vst v63  }
0x5c: {  	_ =	swait.ge [sflag:s13], $0x5000  }
0x5d: {  	s24 =	sshrl.u32 s26, $0x3;
	[sflag:s13] =	ssyncset.done $0x0  }
0x5e: {  	s25 =	sadd.s32 s2, s24;
	[sflag:s13] =	ssyncadd.s32 $0xFFFFB000  }
0x5f: {  	[tilespmem:s4], [sflag:$0x3] =	stream.strided.gather [hbm4b:s25+s14], $0x100, s15, s14, $0x38;
	[tilespmem:$0x1E400] =	vst v63  }
0x60: {  	_ =	swait.ge [sflag:s13], $0x100  }
0x61: {  	[sflag:s13] =	ssyncset.done $0x0  }
0x62: {  	s24 =	sadd.s32 s5, s24;
	[sflag:s13] =	ssyncadd.s32 $0xFFFFFF00  }
0x63: {  	[tilespmem:s16], [sflag:$0x3] =	stream.strided.gather [hbm4b:s24+s14], $0x100, s15, s14, $0x38;
	[tilespmem:$0x1E400] =	vst v63  }
0x64: {  	_ =	swait.ge [sflag:s13], $0x100  }
0x65: {  	[sflag:s13] =	ssyncset.done $0x0;
	s30 =	rddreg [dreg:$0x4]  }
0x66: {  	[sflag:s13] =	ssyncadd.s32 $0xFFFFFF00;
	s24 =	sor.u32 s30, s29  }
0x67: {  	[tilespmem:s15], [sflag:$0x1] =	stream.indirect.gather [hbm4b:s6+s17], $0x80, s4, s17, $0xb8;
	[tilespmem:$0x1E400] =	vst v63  }
0x68: {  	s24 =	sor.u32 s28, s24  }
0x69: {  	s24 =	sshrl.u32 s24, $0x3  }
0x6a: {  	s31 =	sadd.s32 s2, s24  }
0x6b: {  	[tilespmem:s18], [sflag:$0x3] =	stream.strided.gather [hbm4b:s31+s14], $0x100, s15, s14, $0x38;
	[tilespmem:$0x1E400] =	vst v63  }
0x6c: {  	_ =	swait.ge [sflag:s13], $0x100  }
0x6d: {  	[sflag:s13] =	ssyncset.done $0x0  }
0x6e: {  	s24 =	sadd.s32 s5, s24;
	[sflag:s13] =	ssyncadd.s32 $0xFFFFFF00  }
0x6f: {  	[tilespmem:s19], [sflag:$0x3] =	stream.strided.gather [hbm4b:s24+s14], $0x100, s15, s14, $0x38;
	[tilespmem:$0x1E400] =	vst v63  }
0x70: {  	_ =	swait.ge [sflag:s13], $0x100  }
0x71: {  	[sflag:s13] =	ssyncset.done $0x0  }
0x72: {  	[sflag:s13] =	ssyncadd.s32 $0xFFFFFF00  }
0x73: {  	[tilespmem:s20], [sflag:$0x2] =	stream.indirect.gather [hbm4b:s6+s17], $0x80, s18, s17, $0xb8;
	[tilespmem:$0x1E400] =	vst v63  }
0x74: {  	_ =	swait.ge [sflag:s21], $0x5000  }
0x75: {  	[sflag:s21] =	ssyncset.done $0x0  }
0x76: {  	[sflag:s21] =	ssyncadd.s32 $0xFFFFB000  }
0x77: {  	[spmem:s3] =	stream.indirect.scatter.add.f32 [tilespmem:s15], [sflag:$0x3], $0x80, s16, s17, $0xb8;
	[tilespmem:$0x1E400] =	vst v63  }
0x78: {  	_ =	swait.ge [sflag:s13], $0x5000  }
0x79: {  	[sflag:s13] =	ssyncset.done $0x0  }
0x7a: {  	[sflag:s13] =	ssyncadd.s32 $0xFFFFB000  }
0x7b: {  	_ =	swait.ge [sflag:s22], $0x5000  }
0x7c: {  	[sflag:s22] =	ssyncset.done $0x0  }
0x7d: {  	[sflag:s22] =	ssyncadd.s32 $0xFFFFB000  }
0x7e: {  	[spmem:s3] =	stream.indirect.scatter.add.f32 [tilespmem:s20], [sflag:$0x3], $0x80, s19, s17, $0xb8;
	[tilespmem:$0x1E400] =	vst v63  }
0x7f: {  	_ =	swait.ge [sflag:s13], $0x5000  }
0x80: {  	s23 =	sadd.s32 $0x1, s23;
	[sflag:s13] =	ssyncset.done $0x0  }
0x81: {  	p0 =	sne.s32 s23, s11;
	[sflag:s13] =	ssyncadd.s32 $0xFFFFB000  }
.Ltmp1:
0x82: {  	[bflag:$0x0] =	sbarrier.arrive $0xFFFF;
	(pc) =	sbr.rel @p0 .LBB2_1-.Ltmp1, $4  }
0x83: {  	[hbm:s10], [sflag:s9] =	dma.local [spmem:s12], $0x2800  }
0x84: {  	_ =	swait.ge [sflag:s13], $0x2800  }
0x85: {  	[sflag:s13] =	ssyncset.done $0x0  }
0x86: {  	[sflag:s13] =	ssyncadd.s32 $0xFFFFD800  }
0x87: {  	_ =	sfence.sel $0x180000  }
0x88: {  	[bflag:$0x0] =	sbarrier.arrive $0xFFFF  }
0x89: {  	p0 =	sne.s32 s1, $0x0;
	_ =	strace $0x9000004A  }
0x8a: {  	s0 =	sadd.s32 @!p0 $0x100000, s0;
	[bflag:$0x2] =	sbarrier.arrive $0xFFFF  }
0x8b: {  	[sflag:s0] =	ssyncadd.tile.s32 @!p0 $0x1;
	_ =	shalt  }
.Lfunc_end2:
_tile_overlayer_lowered:
.L_overlay_start_2:
0x8c: {  	(tag) =	ssettag $0x2  }
0x8d: {  	s0 =	rddreg [dreg:$0x0];
	s2 =	stileid.u32  }
0x8e: {  	s1 =	rddreg [dreg:$0x1];
	p0 =	sne.s32 s2, $0x0  }
0x8f: {  	s3 =	rddreg [dreg:$0x2];
	[bflag:$0x3] =	sbarrier.arrive $0xFFFF;
	s2 =	simm.s32 @!p0 $0x1C03  }
0x90: {  	[timem:s3], [sflag:s2] =	dma.local @!p0 [hbm:s0], s1  }
0x91: {  	s0 =	simm.s32 @!p0 $0x3  }
0x92: {  	_ =	swait.ge @!p0 [sflag:s0], s1  }
0x93: {  	s1 =	ssub.s32 @!p0 $0x0, s1;
	[sflag:s0] =	ssyncset.done @!p0 $0x0  }
0x94: {  	[sflag:s0] =	ssyncadd.s32 @!p0 s1  }
0x95: {  	[bflag:$0x3] =	sbarrier.arrive $0xFFFF  }
0x96: {  	_ =	shalt  }

</sc_bundles>
